<compile_context>
chip_gen: v7x
topology: tpu7x:2x2x1
jax: 0.10.2.dev20260603
libtpu: 0.0.44.dev20260713+nightly
codegen_flags: <defaults>
</compile_context>

<pallas_src>
import functools

import jax
import jax.numpy as jnp
from jax import lax
from jax.experimental import pallas as pl
from jax.experimental.pallas import tpu as pltpu
from jax.experimental.pallas import tpu_sc as plsc

N = 100000
E = 6400000
H = 128

NP = 102400

NUM_CORES = 2
NUM_SUBCORES = 16
NUM_WORKERS = NUM_CORES * NUM_SUBCORES
EDGES_PER_WORKER = E // NUM_WORKERS
CHUNK = 25000
NUM_CHUNKS = EDGES_PER_WORKER // CHUNK
PIECE = NP // NUM_SUBCORES

CB = 6400
GRID = NP // CB


def _sc_segment_sums(x_flat, zeros_np, ones_chunk, ei_flat):
    mesh = plsc.VectorSubcoreMesh(core_axis_name="c", subcore_axis_name="s")

    @functools.partial(
        pl.kernel,
        out_type=jax.ShapeDtypeStruct((4 * NP,), jnp.float32),
        mesh=mesh,
        scratch_types=[
            pltpu.VMEM((CHUNK,), jnp.int32),
            pltpu.VMEM((CHUNK,), jnp.int32),
            pltpu.VMEM((CHUNK,), jnp.float32),
            pltpu.VMEM((CHUNK,), jnp.float32),
            pltpu.VMEM_SHARED((NP,), jnp.float32),
            pltpu.VMEM_SHARED((NP,), jnp.float32),
            pltpu.VMEM_SHARED((NP,), jnp.float32),
            pltpu.SemaphoreType.DMA,
            pltpu.SemaphoreType.DMA,
            pltpu.SemaphoreType.DMA,
        ],
    )
    def sc_kernel(x_hbm, zero_hbm, ones_hbm, ei_hbm, out_hbm,
                  src_v, dst_v, vals_v, ones_v, x_sp, sum_sp, cnt_sp,
                  sem_g, sem_s1, sem_s2):
        cid = lax.axis_index("c")
        sid = lax.axis_index("s")
        off = sid * PIECE
        piece = vals_v.at[pl.ds(0, PIECE)]

        pltpu.sync_copy(x_hbm.at[pl.ds(off, PIECE)], piece)
        pltpu.sync_copy(piece, x_sp.at[pl.ds(off, PIECE)])
        pltpu.sync_copy(zero_hbm.at[pl.ds(off, PIECE)], piece)
        pltpu.sync_copy(piece, sum_sp.at[pl.ds(off, PIECE)])
        pltpu.sync_copy(piece, cnt_sp.at[pl.ds(off, PIECE)])
        pltpu.sync_copy(ones_hbm, ones_v)

        plsc.subcore_barrier()

        wid = cid * NUM_SUBCORES + sid

        def chunk_body(j, carry):
            base = wid * EDGES_PER_WORKER + j * CHUNK
            pltpu.sync_copy(ei_hbm.at[pl.ds(base, CHUNK)], src_v)
            pltpu.sync_copy(ei_hbm.at[pl.ds(E + base, CHUNK)], dst_v)
            g = pltpu.async_copy(x_sp.at[src_v], vals_v, sem_g)
            s2 = pltpu.async_copy(ones_v, cnt_sp.at[dst_v], sem_s2, add=True)
            g.wait()
            s1 = pltpu.async_copy(vals_v, sum_sp.at[dst_v], sem_s1, add=True)
            s1.wait()
            s2.wait()
            return carry

        lax.fori_loop(0, NUM_CHUNKS, chunk_body, 0)

        plsc.subcore_barrier()

        out_base = cid * 2 * NP
        pltpu.sync_copy(sum_sp.at[pl.ds(off, PIECE)], piece)
        pltpu.sync_copy(piece, out_hbm.at[pl.ds(out_base + off, PIECE)])
        pltpu.sync_copy(cnt_sp.at[pl.ds(off, PIECE)], piece)
        pltpu.sync_copy(piece, out_hbm.at[pl.ds(out_base + NP + off, PIECE)])

    return sc_kernel(x_flat, zeros_np, ones_chunk, ei_flat)


def _tc_tail_body(p_ref, x_ref, wl_ref, bl_ref, wr_ref, o_ref):
    i = pl.program_id(0)
    p = p_ref[...]
    s = p[0:1, :] + p[2:3, :]
    c = p[1:2, :] + p[3:4, :]
    mean = s / jnp.maximum(c, 1.0)
    t = wl_ref[...] * mean + wr_ref[...] * x_ref[...]
    col = i * CB + jax.lax.broadcasted_iota(jnp.int32, (H, CB), 1)
    t = jnp.where(col < N, t, -jnp.inf)
    m = jnp.max(t, axis=1, keepdims=True)

    @pl.when(i == 0)
    def _init():
        o_ref[...] = m

    @pl.when(i > 0)
    def _acc():
        o_ref[...] = jnp.maximum(o_ref[...], m)

    @pl.when(i == GRID - 1)
    def _bias():
        o_ref[...] = o_ref[...] + bl_ref[...]


def _tc_tail(p4, xr, wlT, blT, wrT):
    col = pl.BlockSpec((H, 1), lambda i: (0, 0))
    out = pl.pallas_call(
        _tc_tail_body,
        grid=(GRID,),
        in_specs=[
            pl.BlockSpec((4, CB), lambda i: (0, i)),
            pl.BlockSpec((1, CB), lambda i: (0, i)),
            col, col, col,
        ],
        out_specs=pl.BlockSpec((H, 1), lambda i: (0, 0)),
        out_shape=jax.ShapeDtypeStruct((H, 1), jnp.float32),
    )(p4, xr, wlT, blT, wrT)
    return out.reshape(1, H)


def kernel(x, edge_index, batch, Wl, bl, Wr):
    del batch
    x_pad = jnp.concatenate([x.reshape(N), jnp.zeros((NP - N,), jnp.float32)])
    partials = _sc_segment_sums(
        x_pad,
        jnp.zeros((NP,), jnp.float32),
        jnp.ones((CHUNK,), jnp.float32),
        edge_index.reshape(-1),
    )
    return _tc_tail(
        partials.reshape(4, NP),
        x_pad.reshape(1, NP),
        Wl.reshape(H, 1),
        bl.reshape(H, 1),
        Wr.reshape(H, 1),
    )

# --- scband reference (transcript-rebuilt; emitter-appended) ---
"""Pipeline reference for scband-gcn-83073257439786 (READ-ONLY COPY).

The authoritative reference and input builder live on the scoring server;
editing this copy changes nothing except your own understanding.
"""

import jax, jax.numpy as jnp
import numpy as np

N = 100000
E = 6400000
H = 128


def setup_inputs(seed: int = 0) -> dict:
    key = jax.random.key(seed)
    k1, k2, k3, k4 = jax.random.split(key, 4)
    x = jax.random.normal(k1, (N, 1), dtype=jnp.float32)
    edge_index = jax.random.randint(k2, (2, E), 0, N, dtype=jnp.int32)
    batch = jnp.zeros((N,), dtype=jnp.int32)
    # SAGEConv(1, H) parameters: lin_l (aggregated neighbors, with bias), lin_r (root, no bias)
    bound = 1.0  # 1/sqrt(in_channels=1)
    Wl = jax.random.uniform(k3, (1, H), dtype=jnp.float32, minval=-bound, maxval=bound)
    bl = jnp.zeros((H,), dtype=jnp.float32)
    Wr = jax.random.uniform(k4, (1, H), dtype=jnp.float32, minval=-bound, maxval=bound)
    return {"x": x, "edge_index": edge_index, "batch": batch, "Wl": Wl, "bl": bl, "Wr": Wr}


def reference(x, edge_index, batch, Wl, bl, Wr):
    # SAGEConv with mean aggregation: out = lin_l(mean_{j in N(i)} x_j) + lin_r(x_i)
    src = edge_index[0]
    dst = edge_index[1]
    msgs = jnp.take(x, src, axis=0)  # gather source node features [E, 1]
    summed = jax.ops.segment_sum(msgs, dst, num_segments=N)  # scatter-add [N, 1]
    counts = jax.ops.segment_sum(jnp.ones((E, 1), dtype=x.dtype), dst, num_segments=N)
    mean_agg = summed / jnp.maximum(counts, 1.0)
    h = mean_agg @ Wl + bl + x @ Wr  # [N, H]
    # dropout(p=0.2) is identity in eval mode
    # global_max_pool over batch assignment (all zeros -> single graph)
    pooled = jax.ops.segment_max(h, batch, num_segments=1)  # [1, H]
    return pooled

if __name__ == "__main__":
    import jax
    _d = setup_inputs()
    print(jax.jit(kernel)(*tuple(_d.values())))

</pallas_src>

<mosaic_0001>
#map = affine_map<(d0, d1) -> (0)>
module attributes {stable_mosaic.version = 14 : i64} {
  func.func @sc_kernel(%arg0: i32, %arg1: i32, %arg2: memref<102400xf32, #tpu.memory_space<hbm>>, %arg3: memref<102400xf32, #tpu.memory_space<hbm>>, %arg4: memref<25000xf32, #tpu.memory_space<hbm>>, %arg5: memref<12800000xi32, #tpu.memory_space<hbm>>, %arg6: memref<409600xf32, #tpu.memory_space<hbm>>, %arg7: memref<25000xi32, #tpu.memory_space<vmem>>, %arg8: memref<25000xi32, #tpu.memory_space<vmem>>, %arg9: memref<25000xf32, #tpu.memory_space<vmem>>, %arg10: memref<25000xf32, #tpu.memory_space<vmem>>, %arg11: memref<102400xf32, #tpu.memory_space<vmem_shared>>, %arg12: memref<102400xf32, #tpu.memory_space<vmem_shared>>, %arg13: memref<102400xf32, #tpu.memory_space<vmem_shared>>, %arg14: memref<!tpu.dma_semaphore, #tpu.memory_space<semaphore_mem>>, %arg15: memref<!tpu.dma_semaphore, #tpu.memory_space<semaphore_mem>>, %arg16: memref<!tpu.dma_semaphore, #tpu.memory_space<semaphore_mem>>) attributes {dimension_semantics = [#tpu.dimension_semantics<core_parallel>, #tpu.dimension_semantics<subcore_parallel>], iteration_bounds = array<i64: 2, 16>, scalar_prefetch = 0 : i64, scratch_operands = 10 : i64, tpu.core_type = #tpu.core_type<sc_vector_subcore>, window_params = [{transform_indices = #map}, {transform_indices = #map}, {transform_indices = #map}, {transform_indices = #map}, {transform_indices = #map}]} {
    %mul3A = arith.constant 6400 : i32
    %mul3A_0 = arith.muli %arg1, %mul3A : i32
    "tpu.region"() ({
      %run_scoped3A = tpu.sem_alloc : memref<!tpu.dma_semaphore, #tpu.memory_space<semaphore_mem>>
      %dma_start3A = arith.constant 0 : i32
      %dma_start3A_17 = tpu.memref_slice %arg9[%dma_start3A] : memref<25000xf32, #tpu.memory_space<vmem>> -> memref<6400xf32, #tpu.memory_space<vmem>>
      %dma_start3A_18 = tpu.memref_slice %arg2[%mul3A_0] : memref<102400xf32, #tpu.memory_space<hbm>> -> memref<6400xf32, #tpu.memory_space<hbm>>
      %dma_start3A_19 = arith.constant 0 : i32
      %dma_start3A_20 = tpu.memref_slice %arg9[%dma_start3A_19] : memref<25000xf32, #tpu.memory_space<vmem>> -> memref<6400xf32, #tpu.memory_space<vmem>>
      %dma_start3A_21 = tpu.memref_slice %arg2[%mul3A_0] : memref<102400xf32, #tpu.memory_space<hbm>> -> memref<6400xf32, #tpu.memory_space<hbm>>
      tpu.enqueue_dma source(%dma_start3A_21 : memref<6400xf32, #tpu.memory_space<hbm>>) target(%dma_start3A_20 : memref<6400xf32, #tpu.memory_space<vmem>>) target_semaphore(%run_scoped3A : memref<!tpu.dma_semaphore, #tpu.memory_space<semaphore_mem>>)
      %dma_wait3A = arith.constant 0 : i32
      %dma_wait3A_22 = tpu.memref_slice %arg9[%dma_wait3A] : memref<25000xf32, #tpu.memory_space<vmem>> -> memref<6400xf32, #tpu.memory_space<vmem>>
      %dma_wait3A_23 = tpu.memref_slice %arg2[%mul3A_0] : memref<102400xf32, #tpu.memory_space<hbm>> -> memref<6400xf32, #tpu.memory_space<hbm>>
      %dma_wait3A_24 = arith.constant 0 : i32
      %dma_wait3A_25 = tpu.memref_slice %arg9[%dma_wait3A_24] : memref<25000xf32, #tpu.memory_space<vmem>> -> memref<6400xf32, #tpu.memory_space<vmem>>
      %dma_wait3A_26 = tpu.memref_slice %arg2[%mul3A_0] : memref<102400xf32, #tpu.memory_space<hbm>> -> memref<6400xf32, #tpu.memory_space<hbm>>
      tpu.wait_dma2 semaphore(%run_scoped3A : memref<!tpu.dma_semaphore, #tpu.memory_space<semaphore_mem>>) src(%dma_wait3A_26 : memref<6400xf32, #tpu.memory_space<hbm>>) dst(%dma_wait3A_25 : memref<6400xf32, #tpu.memory_space<vmem>>)
      tpu.yield
    }) : () -> ()
    "tpu.region"() ({
      %run_scoped3A = tpu.sem_alloc : memref<!tpu.dma_semaphore, #tpu.memory_space<semaphore_mem>>
      %dma_start3A = arith.constant 0 : i32
      %dma_start3A_17 = tpu.memref_slice %arg9[%dma_start3A] : memref<25000xf32, #tpu.memory_space<vmem>> -> memref<6400xf32, #tpu.memory_space<vmem>>
      %dma_start3A_18 = tpu.memref_slice %arg11[%mul3A_0] : memref<102400xf32, #tpu.memory_space<vmem_shared>> -> memref<6400xf32, #tpu.memory_space<vmem_shared>>
      %dma_start3A_19 = tpu.memref_slice %arg11[%mul3A_0] : memref<102400xf32, #tpu.memory_space<vmem_shared>> -> memref<6400xf32, #tpu.memory_space<vmem_shared>>
      %dma_start3A_20 = arith.constant 0 : i32
      %dma_start3A_21 = tpu.memref_slice %arg9[%dma_start3A_20] : memref<25000xf32, #tpu.memory_space<vmem>> -> memref<6400xf32, #tpu.memory_space<vmem>>
      tpu.enqueue_dma source(%dma_start3A_21 : memref<6400xf32, #tpu.memory_space<vmem>>) target(%dma_start3A_19 : memref<6400xf32, #tpu.memory_space<vmem_shared>>) target_semaphore(%run_scoped3A : memref<!tpu.dma_semaphore, #tpu.memory_space<semaphore_mem>>)
      %dma_wait3A = arith.constant 0 : i32
      %dma_wait3A_22 = tpu.memref_slice %arg9[%dma_wait3A] : memref<25000xf32, #tpu.memory_space<vmem>> -> memref<6400xf32, #tpu.memory_space<vmem>>
      %dma_wait3A_23 = tpu.memref_slice %arg11[%mul3A_0] : memref<102400xf32, #tpu.memory_space<vmem_shared>> -> memref<6400xf32, #tpu.memory_space<vmem_shared>>
      %dma_wait3A_24 = tpu.memref_slice %arg11[%mul3A_0] : memref<102400xf32, #tpu.memory_space<vmem_shared>> -> memref<6400xf32, #tpu.memory_space<vmem_shared>>
      %dma_wait3A_25 = arith.constant 0 : i32
      %dma_wait3A_26 = tpu.memref_slice %arg9[%dma_wait3A_25] : memref<25000xf32, #tpu.memory_space<vmem>> -> memref<6400xf32, #tpu.memory_space<vmem>>
      tpu.wait_dma2 semaphore(%run_scoped3A : memref<!tpu.dma_semaphore, #tpu.memory_space<semaphore_mem>>) src(%dma_wait3A_26 : memref<6400xf32, #tpu.memory_space<vmem>>) dst(%dma_wait3A_24 : memref<6400xf32, #tpu.memory_space<vmem_shared>>)
      tpu.yield
    }) : () -> ()
    "tpu.region"() ({
      %run_scoped3A = tpu.sem_alloc : memref<!tpu.dma_semaphore, #tpu.memory_space<semaphore_mem>>
      %dma_start3A = arith.constant 0 : i32
      %dma_start3A_17 = tpu.memref_slice %arg9[%dma_start3A] : memref<25000xf32, #tpu.memory_space<vmem>> -> memref<6400xf32, #tpu.memory_space<vmem>>
      %dma_start3A_18 = tpu.memref_slice %arg3[%mul3A_0] : memref<102400xf32, #tpu.memory_space<hbm>> -> memref<6400xf32, #tpu.memory_space<hbm>>
      %dma_start3A_19 = arith.constant 0 : i32
      %dma_start3A_20 = tpu.memref_slice %arg9[%dma_start3A_19] : memref<25000xf32, #tpu.memory_space<vmem>> -> memref<6400xf32, #tpu.memory_space<vmem>>
      %dma_start3A_21 = tpu.memref_slice %arg3[%mul3A_0] : memref<102400xf32, #tpu.memory_space<hbm>> -> memref<6400xf32, #tpu.memory_space<hbm>>
      tpu.enqueue_dma source(%dma_start3A_21 : memref<6400xf32, #tpu.memory_space<hbm>>) target(%dma_start3A_20 : memref<6400xf32, #tpu.memory_space<vmem>>) target_semaphore(%run_scoped3A : memref<!tpu.dma_semaphore, #tpu.memory_space<semaphore_mem>>)
      %dma_wait3A = arith.constant 0 : i32
      %dma_wait3A_22 = tpu.memref_slice %arg9[%dma_wait3A] : memref<25000xf32, #tpu.memory_space<vmem>> -> memref<6400xf32, #tpu.memory_space<vmem>>
      %dma_wait3A_23 = tpu.memref_slice %arg3[%mul3A_0] : memref<102400xf32, #tpu.memory_space<hbm>> -> memref<6400xf32, #tpu.memory_space<hbm>>
      %dma_wait3A_24 = arith.constant 0 : i32
      %dma_wait3A_25 = tpu.memref_slice %arg9[%dma_wait3A_24] : memref<25000xf32, #tpu.memory_space<vmem>> -> memref<6400xf32, #tpu.memory_space<vmem>>
      %dma_wait3A_26 = tpu.memref_slice %arg3[%mul3A_0] : memref<102400xf32, #tpu.memory_space<hbm>> -> memref<6400xf32, #tpu.memory_space<hbm>>
      tpu.wait_dma2 semaphore(%run_scoped3A : memref<!tpu.dma_semaphore, #tpu.memory_space<semaphore_mem>>) src(%dma_wait3A_26 : memref<6400xf32, #tpu.memory_space<hbm>>) dst(%dma_wait3A_25 : memref<6400xf32, #tpu.memory_space<vmem>>)
      tpu.yield
    }) : () -> ()
    "tpu.region"() ({
      %run_scoped3A = tpu.sem_alloc : memref<!tpu.dma_semaphore, #tpu.memory_space<semaphore_mem>>
      %dma_start3A = arith.constant 0 : i32
      %dma_start3A_17 = tpu.memref_slice %arg9[%dma_start3A] : memref<25000xf32, #tpu.memory_space<vmem>> -> memref<6400xf32, #tpu.memory_space<vmem>>
      %dma_start3A_18 = tpu.memref_slice %arg12[%mul3A_0] : memref<102400xf32, #tpu.memory_space<vmem_shared>> -> memref<6400xf32, #tpu.memory_space<vmem_shared>>
      %dma_start3A_19 = tpu.memref_slice %arg12[%mul3A_0] : memref<102400xf32, #tpu.memory_space<vmem_shared>> -> memref<6400xf32, #tpu.memory_space<vmem_shared>>
      %dma_start3A_20 = arith.constant 0 : i32
      %dma_start3A_21 = tpu.memref_slice %arg9[%dma_start3A_20] : memref<25000xf32, #tpu.memory_space<vmem>> -> memref<6400xf32, #tpu.memory_space<vmem>>
      tpu.enqueue_dma source(%dma_start3A_21 : memref<6400xf32, #tpu.memory_space<vmem>>) target(%dma_start3A_19 : memref<6400xf32, #tpu.memory_space<vmem_shared>>) target_semaphore(%run_scoped3A : memref<!tpu.dma_semaphore, #tpu.memory_space<semaphore_mem>>)
      %dma_wait3A = arith.constant 0 : i32
      %dma_wait3A_22 = tpu.memref_slice %arg9[%dma_wait3A] : memref<25000xf32, #tpu.memory_space<vmem>> -> memref<6400xf32, #tpu.memory_space<vmem>>
      %dma_wait3A_23 = tpu.memref_slice %arg12[%mul3A_0] : memref<102400xf32, #tpu.memory_space<vmem_shared>> -> memref<6400xf32, #tpu.memory_space<vmem_shared>>
      %dma_wait3A_24 = tpu.memref_slice %arg12[%mul3A_0] : memref<102400xf32, #tpu.memory_space<vmem_shared>> -> memref<6400xf32, #tpu.memory_space<vmem_shared>>
      %dma_wait3A_25 = arith.constant 0 : i32
      %dma_wait3A_26 = tpu.memref_slice %arg9[%dma_wait3A_25] : memref<25000xf32, #tpu.memory_space<vmem>> -> memref<6400xf32, #tpu.memory_space<vmem>>
      tpu.wait_dma2 semaphore(%run_scoped3A : memref<!tpu.dma_semaphore, #tpu.memory_space<semaphore_mem>>) src(%dma_wait3A_26 : memref<6400xf32, #tpu.memory_space<vmem>>) dst(%dma_wait3A_24 : memref<6400xf32, #tpu.memory_space<vmem_shared>>)
      tpu.yield
    }) : () -> ()
    "tpu.region"() ({
      %run_scoped3A = tpu.sem_alloc : memref<!tpu.dma_semaphore, #tpu.memory_space<semaphore_mem>>
      %dma_start3A = arith.constant 0 : i32
      %dma_start3A_17 = tpu.memref_slice %arg9[%dma_start3A] : memref<25000xf32, #tpu.memory_space<vmem>> -> memref<6400xf32, #tpu.memory_space<vmem>>
      %dma_start3A_18 = tpu.memref_slice %arg13[%mul3A_0] : memref<102400xf32, #tpu.memory_space<vmem_shared>> -> memref<6400xf32, #tpu.memory_space<vmem_shared>>
      %dma_start3A_19 = tpu.memref_slice %arg13[%mul3A_0] : memref<102400xf32, #tpu.memory_space<vmem_shared>> -> memref<6400xf32, #tpu.memory_space<vmem_shared>>
      %dma_start3A_20 = arith.constant 0 : i32
      %dma_start3A_21 = tpu.memref_slice %arg9[%dma_start3A_20] : memref<25000xf32, #tpu.memory_space<vmem>> -> memref<6400xf32, #tpu.memory_space<vmem>>
      tpu.enqueue_dma source(%dma_start3A_21 : memref<6400xf32, #tpu.memory_space<vmem>>) target(%dma_start3A_19 : memref<6400xf32, #tpu.memory_space<vmem_shared>>) target_semaphore(%run_scoped3A : memref<!tpu.dma_semaphore, #tpu.memory_space<semaphore_mem>>)
      %dma_wait3A = arith.constant 0 : i32
      %dma_wait3A_22 = tpu.memref_slice %arg9[%dma_wait3A] : memref<25000xf32, #tpu.memory_space<vmem>> -> memref<6400xf32, #tpu.memory_space<vmem>>
      %dma_wait3A_23 = tpu.memref_slice %arg13[%mul3A_0] : memref<102400xf32, #tpu.memory_space<vmem_shared>> -> memref<6400xf32, #tpu.memory_space<vmem_shared>>
      %dma_wait3A_24 = tpu.memref_slice %arg13[%mul3A_0] : memref<102400xf32, #tpu.memory_space<vmem_shared>> -> memref<6400xf32, #tpu.memory_space<vmem_shared>>
      %dma_wait3A_25 = arith.constant 0 : i32
      %dma_wait3A_26 = tpu.memref_slice %arg9[%dma_wait3A_25] : memref<25000xf32, #tpu.memory_space<vmem>> -> memref<6400xf32, #tpu.memory_space<vmem>>
      tpu.wait_dma2 semaphore(%run_scoped3A : memref<!tpu.dma_semaphore, #tpu.memory_space<semaphore_mem>>) src(%dma_wait3A_26 : memref<6400xf32, #tpu.memory_space<vmem>>) dst(%dma_wait3A_24 : memref<6400xf32, #tpu.memory_space<vmem_shared>>)
      tpu.yield
    }) : () -> ()
    "tpu.region"() ({
      %run_scoped3A = tpu.sem_alloc : memref<!tpu.dma_semaphore, #tpu.memory_space<semaphore_mem>>
      tpu.enqueue_dma source(%arg4 : memref<25000xf32, #tpu.memory_space<hbm>>) target(%arg10 : memref<25000xf32, #tpu.memory_space<vmem>>) target_semaphore(%run_scoped3A : memref<!tpu.dma_semaphore, #tpu.memory_space<semaphore_mem>>)
      tpu.wait_dma2 semaphore(%run_scoped3A : memref<!tpu.dma_semaphore, #tpu.memory_space<semaphore_mem>>) src(%arg4 : memref<25000xf32, #tpu.memory_space<hbm>>) dst(%arg10 : memref<25000xf32, #tpu.memory_space<vmem>>)
      tpu.yield
    }) : () -> ()
    %barrier3A = arith.constant 0 : index
    tpu.barrier barrier_id(%barrier3A)
    %mul3A_1 = arith.constant 16 : i32
    %mul3A_2 = arith.muli %arg0, %mul3A_1 : i32
    %add3A = arith.addi %mul3A_2, %arg1 : i32
    %scan3A = arith.constant 0 : i32
    %scan3A_3 = arith.constant 0 : i32
    %scan3A_4 = arith.constant 8 : i32
    %scan3A_5 = arith.addi %scan3A_3, %scan3A_4 : i32
    %scan3A_6 = arith.constant 1 : i32
    scf.for %scan3A_17 = %scan3A_3 to %scan3A_5 step %scan3A_6  : i32 {
      %mul3A_18 = arith.constant 200000 : i32
      %mul3A_19 = arith.muli %add3A, %mul3A_18 : i32
      %mul3A_20 = arith.constant 25000 : i32
      %mul3A_21 = arith.muli %scan3A_17, %mul3A_20 : i32
      %add3A_22 = arith.addi %mul3A_19, %mul3A_21 : i32
      "tpu.region"() ({
        %run_scoped3A = tpu.sem_alloc : memref<!tpu.dma_semaphore, #tpu.memory_space<semaphore_mem>>
        %dma_start3A_35 = tpu.memref_slice %arg5[%add3A_22] : memref<12800000xi32, #tpu.memory_space<hbm>> -> memref<25000xi32, #tpu.memory_space<hbm>>
        %dma_start3A_36 = tpu.memref_slice %arg5[%add3A_22] : memref<12800000xi32, #tpu.memory_space<hbm>> -> memref<25000xi32, #tpu.memory_space<hbm>>
        tpu.enqueue_dma source(%dma_start3A_36 : memref<25000xi32, #tpu.memory_space<hbm>>) target(%arg7 : memref<25000xi32, #tpu.memory_space<vmem>>) target_semaphore(%run_scoped3A : memref<!tpu.dma_semaphore, #tpu.memory_space<semaphore_mem>>)
        %dma_wait3A_37 = tpu.memref_slice %arg5[%add3A_22] : memref<12800000xi32, #tpu.memory_space<hbm>> -> memref<25000xi32, #tpu.memory_space<hbm>>
        %dma_wait3A_38 = tpu.memref_slice %arg5[%add3A_22] : memref<12800000xi32, #tpu.memory_space<hbm>> -> memref<25000xi32, #tpu.memory_space<hbm>>
        tpu.wait_dma2 semaphore(%run_scoped3A : memref<!tpu.dma_semaphore, #tpu.memory_space<semaphore_mem>>) src(%dma_wait3A_38 : memref<25000xi32, #tpu.memory_space<hbm>>) dst(%arg7 : memref<25000xi32, #tpu.memory_space<vmem>>)
        tpu.yield
      }) : () -> ()
      %add3A_23 = arith.constant 6400000 : i32
      %add3A_24 = arith.addi %add3A_23, %add3A_22 : i32
      "tpu.region"() ({
        %run_scoped3A = tpu.sem_alloc : memref<!tpu.dma_semaphore, #tpu.memory_space<semaphore_mem>>
        %dma_start3A_35 = tpu.memref_slice %arg5[%add3A_24] : memref<12800000xi32, #tpu.memory_space<hbm>> -> memref<25000xi32, #tpu.memory_space<hbm>>
        %dma_start3A_36 = tpu.memref_slice %arg5[%add3A_24] : memref<12800000xi32, #tpu.memory_space<hbm>> -> memref<25000xi32, #tpu.memory_space<hbm>>
        tpu.enqueue_dma source(%dma_start3A_36 : memref<25000xi32, #tpu.memory_space<hbm>>) target(%arg8 : memref<25000xi32, #tpu.memory_space<vmem>>) target_semaphore(%run_scoped3A : memref<!tpu.dma_semaphore, #tpu.memory_space<semaphore_mem>>)
        %dma_wait3A_37 = tpu.memref_slice %arg5[%add3A_24] : memref<12800000xi32, #tpu.memory_space<hbm>> -> memref<25000xi32, #tpu.memory_space<hbm>>
        %dma_wait3A_38 = tpu.memref_slice %arg5[%add3A_24] : memref<12800000xi32, #tpu.memory_space<hbm>> -> memref<25000xi32, #tpu.memory_space<hbm>>
        tpu.wait_dma2 semaphore(%run_scoped3A : memref<!tpu.dma_semaphore, #tpu.memory_space<semaphore_mem>>) src(%dma_wait3A_38 : memref<25000xi32, #tpu.memory_space<hbm>>) dst(%arg8 : memref<25000xi32, #tpu.memory_space<vmem>>)
        tpu.yield
      }) : () -> ()
      %dma_start3A = arith.constant 0 : i32
      %dma_start3A_25 = tpu.memref_slice %arg11[%dma_start3A] : memref<102400xf32, #tpu.memory_space<vmem_shared>> -> memref<102400xf32, #tpu.memory_space<vmem_shared>>
      tpu.enqueue_indirect_dma source(%dma_start3A_25 : memref<102400xf32, #tpu.memory_space<vmem_shared>>) target(%arg9 : memref<25000xf32, #tpu.memory_space<vmem>>) offsets(%arg7 : memref<25000xi32, #tpu.memory_space<vmem>>) semaphore(%arg14 : memref<!tpu.dma_semaphore, #tpu.memory_space<semaphore_mem>>)
      %dma_start3A_26 = arith.constant 0 : i32
      %dma_start3A_27 = tpu.memref_slice %arg13[%dma_start3A_26] : memref<102400xf32, #tpu.memory_space<vmem_shared>> -> memref<102400xf32, #tpu.memory_space<vmem_shared>>
      tpu.enqueue_indirect_dma source(%arg10 : memref<25000xf32, #tpu.memory_space<vmem>>) target(%dma_start3A_27 : memref<102400xf32, #tpu.memory_space<vmem_shared>>) offsets(%arg8 : memref<25000xi32, #tpu.memory_space<vmem>>) semaphore(%arg16 : memref<!tpu.dma_semaphore, #tpu.memory_space<semaphore_mem>>) {add = true}
      %dma_wait3A = arith.constant 0 : i32
      %dma_wait3A_28 = tpu.memref_slice %arg11[%dma_wait3A] : memref<102400xf32, #tpu.memory_space<vmem_shared>> -> memref<102400xf32, #tpu.memory_space<vmem_shared>>
      tpu.wait_indirect_dma semaphore(%arg14 : memref<!tpu.dma_semaphore, #tpu.memory_space<semaphore_mem>>) src(%dma_wait3A_28 : memref<102400xf32, #tpu.memory_space<vmem_shared>>) dst(%arg9 : memref<25000xf32, #tpu.memory_space<vmem>>)
      %dma_start3A_29 = arith.constant 0 : i32
      %dma_start3A_30 = tpu.memref_slice %arg12[%dma_start3A_29] : memref<102400xf32, #tpu.memory_space<vmem_shared>> -> memref<102400xf32, #tpu.memory_space<vmem_shared>>
      tpu.enqueue_indirect_dma source(%arg9 : memref<25000xf32, #tpu.memory_space<vmem>>) target(%dma_start3A_30 : memref<102400xf32, #tpu.memory_space<vmem_shared>>) offsets(%arg8 : memref<25000xi32, #tpu.memory_space<vmem>>) semaphore(%arg15 : memref<!tpu.dma_semaphore, #tpu.memory_space<semaphore_mem>>) {add = true}
      %dma_wait3A_31 = arith.constant 0 : i32
      %dma_wait3A_32 = tpu.memref_slice %arg12[%dma_wait3A_31] : memref<102400xf32, #tpu.memory_space<vmem_shared>> -> memref<102400xf32, #tpu.memory_space<vmem_shared>>
      tpu.wait_indirect_dma semaphore(%arg15 : memref<!tpu.dma_semaphore, #tpu.memory_space<semaphore_mem>>) src(%arg9 : memref<25000xf32, #tpu.memory_space<vmem>>) dst(%dma_wait3A_32 : memref<102400xf32, #tpu.memory_space<vmem_shared>>)
      %dma_wait3A_33 = arith.constant 0 : i32
      %dma_wait3A_34 = tpu.memref_slice %arg13[%dma_wait3A_33] : memref<102400xf32, #tpu.memory_space<vmem_shared>> -> memref<102400xf32, #tpu.memory_space<vmem_shared>>
      tpu.wait_indirect_dma semaphore(%arg16 : memref<!tpu.dma_semaphore, #tpu.memory_space<semaphore_mem>>) src(%arg10 : memref<25000xf32, #tpu.memory_space<vmem>>) dst(%dma_wait3A_34 : memref<102400xf32, #tpu.memory_space<vmem_shared>>)
    }
    %scan3A_7 = arith.constant 8 : i32
    %barrier3A_8 = arith.constant 0 : index
    tpu.barrier barrier_id(%barrier3A_8)
    %mul3A_9 = arith.constant 2 : i32
    %mul3A_10 = arith.muli %arg0, %mul3A_9 : i32
    %mul3A_11 = arith.constant 102400 : i32
    %mul3A_12 = arith.muli %mul3A_10, %mul3A_11 : i32
    "tpu.region"() ({
      %run_scoped3A = tpu.sem_alloc : memref<!tpu.dma_semaphore, #tpu.memory_space<semaphore_mem>>
      %dma_start3A = arith.constant 0 : i32
      %dma_start3A_17 = tpu.memref_slice %arg9[%dma_start3A] : memref<25000xf32, #tpu.memory_space<vmem>> -> memref<6400xf32, #tpu.memory_space<vmem>>
      %dma_start3A_18 = tpu.memref_slice %arg12[%mul3A_0] : memref<102400xf32, #tpu.memory_space<vmem_shared>> -> memref<6400xf32, #tpu.memory_space<vmem_shared>>
      %dma_start3A_19 = arith.constant 0 : i32
      %dma_start3A_20 = tpu.memref_slice %arg9[%dma_start3A_19] : memref<25000xf32, #tpu.memory_space<vmem>> -> memref<6400xf32, #tpu.memory_space<vmem>>
      %dma_start3A_21 = tpu.memref_slice %arg12[%mul3A_0] : memref<102400xf32, #tpu.memory_space<vmem_shared>> -> memref<6400xf32, #tpu.memory_space<vmem_shared>>
      tpu.enqueue_dma source(%dma_start3A_21 : memref<6400xf32, #tpu.memory_space<vmem_shared>>) target(%dma_start3A_20 : memref<6400xf32, #tpu.memory_space<vmem>>) target_semaphore(%run_scoped3A : memref<!tpu.dma_semaphore, #tpu.memory_space<semaphore_mem>>)
      %dma_wait3A = arith.constant 0 : i32
      %dma_wait3A_22 = tpu.memref_slice %arg9[%dma_wait3A] : memref<25000xf32, #tpu.memory_space<vmem>> -> memref<6400xf32, #tpu.memory_space<vmem>>
      %dma_wait3A_23 = tpu.memref_slice %arg12[%mul3A_0] : memref<102400xf32, #tpu.memory_space<vmem_shared>> -> memref<6400xf32, #tpu.memory_space<vmem_shared>>
      %dma_wait3A_24 = arith.constant 0 : i32
      %dma_wait3A_25 = tpu.memref_slice %arg9[%dma_wait3A_24] : memref<25000xf32, #tpu.memory_space<vmem>> -> memref<6400xf32, #tpu.memory_space<vmem>>
      %dma_wait3A_26 = tpu.memref_slice %arg12[%mul3A_0] : memref<102400xf32, #tpu.memory_space<vmem_shared>> -> memref<6400xf32, #tpu.memory_space<vmem_shared>>
      tpu.wait_dma2 semaphore(%run_scoped3A : memref<!tpu.dma_semaphore, #tpu.memory_space<semaphore_mem>>) src(%dma_wait3A_26 : memref<6400xf32, #tpu.memory_space<vmem_shared>>) dst(%dma_wait3A_25 : memref<6400xf32, #tpu.memory_space<vmem>>)
      tpu.yield
    }) : () -> ()
    %add3A_13 = arith.addi %mul3A_12, %mul3A_0 : i32
    "tpu.region"() ({
      %run_scoped3A = tpu.sem_alloc : memref<!tpu.dma_semaphore, #tpu.memory_space<semaphore_mem>>
      %dma_start3A = arith.constant 0 : i32
      %dma_start3A_17 = tpu.memref_slice %arg9[%dma_start3A] : memref<25000xf32, #tpu.memory_space<vmem>> -> memref<6400xf32, #tpu.memory_space<vmem>>
      %dma_start3A_18 = tpu.memref_slice %arg6[%add3A_13] : memref<409600xf32, #tpu.memory_space<hbm>> -> memref<6400xf32, #tpu.memory_space<hbm>>
      %dma_start3A_19 = tpu.memref_slice %arg6[%add3A_13] : memref<409600xf32, #tpu.memory_space<hbm>> -> memref<6400xf32, #tpu.memory_space<hbm>>
      %dma_start3A_20 = arith.constant 0 : i32
      %dma_start3A_21 = tpu.memref_slice %arg9[%dma_start3A_20] : memref<25000xf32, #tpu.memory_space<vmem>> -> memref<6400xf32, #tpu.memory_space<vmem>>
      tpu.enqueue_dma source(%dma_start3A_21 : memref<6400xf32, #tpu.memory_space<vmem>>) target(%dma_start3A_19 : memref<6400xf32, #tpu.memory_space<hbm>>) target_semaphore(%run_scoped3A : memref<!tpu.dma_semaphore, #tpu.memory_space<semaphore_mem>>)
      %dma_wait3A = arith.constant 0 : i32
      %dma_wait3A_22 = tpu.memref_slice %arg9[%dma_wait3A] : memref<25000xf32, #tpu.memory_space<vmem>> -> memref<6400xf32, #tpu.memory_space<vmem>>
      %dma_wait3A_23 = tpu.memref_slice %arg6[%add3A_13] : memref<409600xf32, #tpu.memory_space<hbm>> -> memref<6400xf32, #tpu.memory_space<hbm>>
      %dma_wait3A_24 = tpu.memref_slice %arg6[%add3A_13] : memref<409600xf32, #tpu.memory_space<hbm>> -> memref<6400xf32, #tpu.memory_space<hbm>>
      %dma_wait3A_25 = arith.constant 0 : i32
      %dma_wait3A_26 = tpu.memref_slice %arg9[%dma_wait3A_25] : memref<25000xf32, #tpu.memory_space<vmem>> -> memref<6400xf32, #tpu.memory_space<vmem>>
      tpu.wait_dma2 semaphore(%run_scoped3A : memref<!tpu.dma_semaphore, #tpu.memory_space<semaphore_mem>>) src(%dma_wait3A_26 : memref<6400xf32, #tpu.memory_space<vmem>>) dst(%dma_wait3A_24 : memref<6400xf32, #tpu.memory_space<hbm>>)
      tpu.yield
    }) : () -> ()
    "tpu.region"() ({
      %run_scoped3A = tpu.sem_alloc : memref<!tpu.dma_semaphore, #tpu.memory_space<semaphore_mem>>
      %dma_start3A = arith.constant 0 : i32
      %dma_start3A_17 = tpu.memref_slice %arg9[%dma_start3A] : memref<25000xf32, #tpu.memory_space<vmem>> -> memref<6400xf32, #tpu.memory_space<vmem>>
      %dma_start3A_18 = tpu.memref_slice %arg13[%mul3A_0] : memref<102400xf32, #tpu.memory_space<vmem_shared>> -> memref<6400xf32, #tpu.memory_space<vmem_shared>>
      %dma_start3A_19 = arith.constant 0 : i32
      %dma_start3A_20 = tpu.memref_slice %arg9[%dma_start3A_19] : memref<25000xf32, #tpu.memory_space<vmem>> -> memref<6400xf32, #tpu.memory_space<vmem>>
      %dma_start3A_21 = tpu.memref_slice %arg13[%mul3A_0] : memref<102400xf32, #tpu.memory_space<vmem_shared>> -> memref<6400xf32, #tpu.memory_space<vmem_shared>>
      tpu.enqueue_dma source(%dma_start3A_21 : memref<6400xf32, #tpu.memory_space<vmem_shared>>) target(%dma_start3A_20 : memref<6400xf32, #tpu.memory_space<vmem>>) target_semaphore(%run_scoped3A : memref<!tpu.dma_semaphore, #tpu.memory_space<semaphore_mem>>)
      %dma_wait3A = arith.constant 0 : i32
      %dma_wait3A_22 = tpu.memref_slice %arg9[%dma_wait3A] : memref<25000xf32, #tpu.memory_space<vmem>> -> memref<6400xf32, #tpu.memory_space<vmem>>
      %dma_wait3A_23 = tpu.memref_slice %arg13[%mul3A_0] : memref<102400xf32, #tpu.memory_space<vmem_shared>> -> memref<6400xf32, #tpu.memory_space<vmem_shared>>
      %dma_wait3A_24 = arith.constant 0 : i32
      %dma_wait3A_25 = tpu.memref_slice %arg9[%dma_wait3A_24] : memref<25000xf32, #tpu.memory_space<vmem>> -> memref<6400xf32, #tpu.memory_space<vmem>>
      %dma_wait3A_26 = tpu.memref_slice %arg13[%mul3A_0] : memref<102400xf32, #tpu.memory_space<vmem_shared>> -> memref<6400xf32, #tpu.memory_space<vmem_shared>>
      tpu.wait_dma2 semaphore(%run_scoped3A : memref<!tpu.dma_semaphore, #tpu.memory_space<semaphore_mem>>) src(%dma_wait3A_26 : memref<6400xf32, #tpu.memory_space<vmem_shared>>) dst(%dma_wait3A_25 : memref<6400xf32, #tpu.memory_space<vmem>>)
      tpu.yield
    }) : () -> ()
    %add3A_14 = arith.constant 102400 : i32
    %add3A_15 = arith.addi %mul3A_12, %add3A_14 : i32
    %add3A_16 = arith.addi %add3A_15, %mul3A_0 : i32
    "tpu.region"() ({
      %run_scoped3A = tpu.sem_alloc : memref<!tpu.dma_semaphore, #tpu.memory_space<semaphore_mem>>
      %dma_start3A = arith.constant 0 : i32
      %dma_start3A_17 = tpu.memref_slice %arg9[%dma_start3A] : memref<25000xf32, #tpu.memory_space<vmem>> -> memref<6400xf32, #tpu.memory_space<vmem>>
      %dma_start3A_18 = tpu.memref_slice %arg6[%add3A_16] : memref<409600xf32, #tpu.memory_space<hbm>> -> memref<6400xf32, #tpu.memory_space<hbm>>
      %dma_start3A_19 = tpu.memref_slice %arg6[%add3A_16] : memref<409600xf32, #tpu.memory_space<hbm>> -> memref<6400xf32, #tpu.memory_space<hbm>>
      %dma_start3A_20 = arith.constant 0 : i32
      %dma_start3A_21 = tpu.memref_slice %arg9[%dma_start3A_20] : memref<25000xf32, #tpu.memory_space<vmem>> -> memref<6400xf32, #tpu.memory_space<vmem>>
      tpu.enqueue_dma source(%dma_start3A_21 : memref<6400xf32, #tpu.memory_space<vmem>>) target(%dma_start3A_19 : memref<6400xf32, #tpu.memory_space<hbm>>) target_semaphore(%run_scoped3A : memref<!tpu.dma_semaphore, #tpu.memory_space<semaphore_mem>>)
      %dma_wait3A = arith.constant 0 : i32
      %dma_wait3A_22 = tpu.memref_slice %arg9[%dma_wait3A] : memref<25000xf32, #tpu.memory_space<vmem>> -> memref<6400xf32, #tpu.memory_space<vmem>>
      %dma_wait3A_23 = tpu.memref_slice %arg6[%add3A_16] : memref<409600xf32, #tpu.memory_space<hbm>> -> memref<6400xf32, #tpu.memory_space<hbm>>
      %dma_wait3A_24 = tpu.memref_slice %arg6[%add3A_16] : memref<409600xf32, #tpu.memory_space<hbm>> -> memref<6400xf32, #tpu.memory_space<hbm>>
      %dma_wait3A_25 = arith.constant 0 : i32
      %dma_wait3A_26 = tpu.memref_slice %arg9[%dma_wait3A_25] : memref<25000xf32, #tpu.memory_space<vmem>> -> memref<6400xf32, #tpu.memory_space<vmem>>
      tpu.wait_dma2 semaphore(%run_scoped3A : memref<!tpu.dma_semaphore, #tpu.memory_space<semaphore_mem>>) src(%dma_wait3A_26 : memref<6400xf32, #tpu.memory_space<vmem>>) dst(%dma_wait3A_24 : memref<6400xf32, #tpu.memory_space<hbm>>)
      tpu.yield
    }) : () -> ()
    return
  }
}

module attributes {stable_mosaic.version = 14 : i64} {
  func.func @_tc_tail_body(%arg0: i32, %arg1: memref<4x6400xf32, #tpu.memory_space<vmem>>, %arg2: memref<1x6400xf32, #tpu.memory_space<vmem>>, %arg3: memref<128x1xf32, #tpu.memory_space<vmem>>, %arg4: memref<128x1xf32, #tpu.memory_space<vmem>>, %arg5: memref<128x1xf32, #tpu.memory_space<vmem>>, %arg6: memref<128x1xf32, #tpu.memory_space<vmem>>) attributes {dimension_semantics = [#tpu.dimension_semantics<arbitrary>], iteration_bounds = array<i64: 16>, scalar_prefetch = 0 : i64, scratch_operands = 0 : i64, tpu.core_type = #tpu.core_type<tc>, window_params = [{transform_indices = @transform_0, window_bounds = array<i64: 4, 6400>}, {transform_indices = @transform_1, window_bounds = array<i64: 1, 6400>}, {pipeline_mode = #tpu.pipeline_mode<synchronous>, transform_indices = @transform_2, window_bounds = array<i64: 128, 1>}, {pipeline_mode = #tpu.pipeline_mode<synchronous>, transform_indices = @transform_3, window_bounds = array<i64: 128, 1>}, {pipeline_mode = #tpu.pipeline_mode<synchronous>, transform_indices = @transform_4, window_bounds = array<i64: 128, 1>}, {pipeline_mode = #tpu.pipeline_mode<synchronous>, transform_indices = @transform_5, window_bounds = array<i64: 128, 1>}]} {
    %get3A = arith.constant 0 : index
    %get3A_0 = arith.constant 0 : index
    %get3A_1 = vector.load %arg1[%get3A, %get3A_0] : memref<4x6400xf32, #tpu.memory_space<vmem>>, vector<4x6400xf32>
    %slice3A = vector.extract_strided_slice %get3A_1 {offsets = [0, 0], sizes = [1, 6400], strides = [1, 1]} : vector<4x6400xf32> to vector<1x6400xf32>
    %slice3A_2 = vector.extract_strided_slice %get3A_1 {offsets = [2, 0], sizes = [1, 6400], strides = [1, 1]} : vector<4x6400xf32> to vector<1x6400xf32>
    %add3A = arith.addf %slice3A, %slice3A_2 : vector<1x6400xf32>
    %slice3A_3 = vector.extract_strided_slice %get3A_1 {offsets = [1, 0], sizes = [1, 6400], strides = [1, 1]} : vector<4x6400xf32> to vector<1x6400xf32>
    %slice3A_4 = vector.extract_strided_slice %get3A_1 {offsets = [3, 0], sizes = [1, 6400], strides = [1, 1]} : vector<4x6400xf32> to vector<1x6400xf32>
    %add3A_5 = arith.addf %slice3A_3, %slice3A_4 : vector<1x6400xf32>
    %max3A = arith.constant 1.000000e+00 : f32
    %max3A_6 = vector.broadcast %max3A : f32 to vector<1x6400xf32>
    %max3A_7 = arith.maximumf %add3A_5, %max3A_6 : vector<1x6400xf32>
    %div3A = arith.divf %add3A, %max3A_7 : vector<1x6400xf32>
    %get3A_8 = arith.constant 0 : index
    %get3A_9 = arith.constant 0 : index
    %get3A_10 = vector.load %arg3[%get3A_8, %get3A_9] : memref<128x1xf32, #tpu.memory_space<vmem>>, vector<128x1xf32>
    %mul3A = vector.broadcast %get3A_10 : vector<128x1xf32> to vector<128x6400xf32>
    %mul3A_11 = vector.broadcast %div3A : vector<1x6400xf32> to vector<128x6400xf32>
    %mul3A_12 = arith.mulf %mul3A, %mul3A_11 : vector<128x6400xf32>
    %get3A_13 = arith.constant 0 : index
    %get3A_14 = arith.constant 0 : index
    %get3A_15 = vector.load %arg5[%get3A_13, %get3A_14] : memref<128x1xf32, #tpu.memory_space<vmem>>, vector<128x1xf32>
    %get3A_16 = arith.constant 0 : index
    %get3A_17 = arith.constant 0 : index
    %get3A_18 = vector.load %arg2[%get3A_16, %get3A_17] : memref<1x6400xf32, #tpu.memory_space<vmem>>, vector<1x6400xf32>
    %mul3A_19 = vector.broadcast %get3A_15 : vector<128x1xf32> to vector<128x6400xf32>
    %mul3A_20 = vector.broadcast %get3A_18 : vector<1x6400xf32> to vector<128x6400xf32>
    %mul3A_21 = arith.mulf %mul3A_19, %mul3A_20 : vector<128x6400xf32>
    %add3A_22 = arith.addf %mul3A_12, %mul3A_21 : vector<128x6400xf32>
    %mul3A_23 = arith.constant 6400 : i32
    %mul3A_24 = arith.muli %arg0, %mul3A_23 : i32
    %iota3A = tpu.iota {dimensions = array<i32: 1>} : vector<128x6400xi32>
    %add3A_25 = vector.broadcast %mul3A_24 : i32 to vector<128x6400xi32>
    %add3A_26 = arith.addi %add3A_25, %iota3A : vector<128x6400xi32>
    %lt3A = arith.constant 100000 : i32
    %lt3A_27 = vector.broadcast %lt3A : i32 to vector<128x6400xi32>
    %lt3A_28 = arith.cmpi slt, %add3A_26, %lt3A_27 : vector<128x6400xi32>
    %jit3A = arith.constant 0xFF800000 : f32
    %broadcast_in_dim3A = vector.broadcast %jit3A : f32 to vector<128x6400xf32>
    %select_n3A = arith.select %lt3A_28, %add3A_22, %broadcast_in_dim3A : vector<128x6400xi1>, vector<128x6400xf32>
    %reduce_max3A = arith.constant dense<0xFF800000> : vector<128xf32>
    %reduce_max3A_29 = vector.multi_reduction <maximumf>, %select_n3A, %reduce_max3A [1] : vector<128x6400xf32> to vector<128xf32>
    %broadcast_in_dim3A_30 = vector.shape_cast %reduce_max3A_29 : vector<128xf32> to vector<128x1xf32>
    %eq3A = arith.constant 0 : i32
    %eq3A_31 = arith.cmpi eq, %arg0, %eq3A : i32
    %convert_element_type3A = arith.extui %eq3A_31 : i1 to i32
    %cond3A = arith.constant 0 : i32
    %cond3A_32 = arith.cmpi ne, %convert_element_type3A, %cond3A : i32
    scf.if %cond3A_32 {
      %swap3A = arith.constant 0 : index
      %swap3A_42 = arith.constant 0 : index
      %swap3A_43 = vector.load %arg6[%swap3A, %swap3A_42] : memref<128x1xf32, #tpu.memory_space<vmem>>, vector<128x1xf32>
      tpu.vector_store %arg6[%swap3A, %swap3A_42], %broadcast_in_dim3A_30 {strides = array<i32>} : memref<128x1xf32, #tpu.memory_space<vmem>>, vector<128x1xf32>,
    } else {
    }
    %gt3A = arith.constant 0 : i32
    %gt3A_33 = arith.cmpi sgt, %arg0, %gt3A : i32
    %convert_element_type3A_34 = arith.extui %gt3A_33 : i1 to i32
    %cond3A_35 = arith.constant 0 : i32
    %cond3A_36 = arith.cmpi ne, %convert_element_type3A_34, %cond3A_35 : i32
    scf.if %cond3A_36 {
      %get3A_42 = arith.constant 0 : index
      %get3A_43 = arith.constant 0 : index
      %get3A_44 = vector.load %arg6[%get3A_42, %get3A_43] : memref<128x1xf32, #tpu.memory_space<vmem>>, vector<128x1xf32>
      %max3A_45 = arith.maximumf %get3A_44, %broadcast_in_dim3A_30 : vector<128x1xf32>
      %swap3A = arith.constant 0 : index
      %swap3A_46 = arith.constant 0 : index
      %swap3A_47 = vector.load %arg6[%swap3A, %swap3A_46] : memref<128x1xf32, #tpu.memory_space<vmem>>, vector<128x1xf32>
      tpu.vector_store %arg6[%swap3A, %swap3A_46], %max3A_45 {strides = array<i32>} : memref<128x1xf32, #tpu.memory_space<vmem>>, vector<128x1xf32>,
    } else {
    }
    %eq3A_37 = arith.constant 15 : i32
    %eq3A_38 = arith.cmpi eq, %arg0, %eq3A_37 : i32
    %convert_element_type3A_39 = arith.extui %eq3A_38 : i1 to i32
    %cond3A_40 = arith.constant 0 : i32
    %cond3A_41 = arith.cmpi ne, %convert_element_type3A_39, %cond3A_40 : i32
    scf.if %cond3A_41 {
      %get3A_42 = arith.constant 0 : index
      %get3A_43 = arith.constant 0 : index
      %get3A_44 = vector.load %arg6[%get3A_42, %get3A_43] : memref<128x1xf32, #tpu.memory_space<vmem>>, vector<128x1xf32>
      %get3A_45 = arith.constant 0 : index
      %get3A_46 = arith.constant 0 : index
      %get3A_47 = vector.load %arg4[%get3A_45, %get3A_46] : memref<128x1xf32, #tpu.memory_space<vmem>>, vector<128x1xf32>
      %add3A_48 = arith.addf %get3A_44, %get3A_47 : vector<128x1xf32>
      %swap3A = arith.constant 0 : index
      %swap3A_49 = arith.constant 0 : index
      %swap3A_50 = vector.load %arg6[%swap3A, %swap3A_49] : memref<128x1xf32, #tpu.memory_space<vmem>>, vector<128x1xf32>
      tpu.vector_store %arg6[%swap3A, %swap3A_49], %add3A_48 {strides = array<i32>} : memref<128x1xf32, #tpu.memory_space<vmem>>, vector<128x1xf32>,
    } else {
    }
    return
  }
  func.func @transform_0(%arg0: i32) -> (i32, i32) {
    %c0_i32 = arith.constant 0 : i32
    %c0_i32_0 = arith.constant 0 : i32
    return %c0_i32, %arg0 : i32, i32
  }
  func.func @transform_1(%arg0: i32) -> (i32, i32) {
    %c0_i32 = arith.constant 0 : i32
    %c0_i32_0 = arith.constant 0 : i32
    return %c0_i32, %arg0 : i32, i32
  }
  func.func @transform_2(%arg0: i32) -> (i32, i32) {
    %c0_i32 = arith.constant 0 : i32
    %c0_i32_0 = arith.constant 0 : i32
    %c0_i32_1 = arith.constant 0 : i32
    return %c0_i32, %c0_i32_0 : i32, i32
  }
  func.func @transform_3(%arg0: i32) -> (i32, i32) {
    %c0_i32 = arith.constant 0 : i32
    %c0_i32_0 = arith.constant 0 : i32
    %c0_i32_1 = arith.constant 0 : i32
    return %c0_i32, %c0_i32_0 : i32, i32
  }
  func.func @transform_4(%arg0: i32) -> (i32, i32) {
    %c0_i32 = arith.constant 0 : i32
    %c0_i32_0 = arith.constant 0 : i32
    %c0_i32_1 = arith.constant 0 : i32
    return %c0_i32, %c0_i32_0 : i32, i32
  }
  func.func @transform_5(%arg0: i32) -> (i32, i32) {
    %c0_i32 = arith.constant 0 : i32
    %c0_i32_0 = arith.constant 0 : i32
    %c0_i32_1 = arith.constant 0 : i32
    return %c0_i32, %c0_i32_0 : i32, i32
  }
}

</mosaic_0001>

<sc_bundles>
// kernel: kernel.4.cloned.1.call-start
scs
__scs_entry_jumppad:
0x0: {  	(pc) =	sbr.rel $0x88, $3  }
0x1: {  	(tag) =	ssettag $0x0;
	lr =	simm.s32 $0x1  }
0x2: {  	[smem:$0x3F9C] =	sst lr;
	_ =	strace $0xD0000000  }
0x3: {  	_ = 	snop  }
0x4: {  	_ = 	snop  }
0x5: {  	_ = 	snop  }
0x6: {  	_ = 	snop  }
0x7: {  	_ = 	snop  }
__scs_overlays_trampoline_lowered:
0x8: {  	[smem:$0x3FAB] =	sst s0  }
0x9: {  	[smem:$0x3FAC] =	sst s1  }
0xa: {  	[smem:$0x3FAD] =	sst s2  }
0xb: {  	[smem:$0x3FAE] =	sst s3  }
0xc: {  	[smem:$0x3FAF] =	sst s4  }
0xd: {  	[smem:$0x3FB0] =	sst s5  }
0xe: {  	[smem:$0x3FB1] =	sst s6  }
0xf: {  	[smem:$0x3FB2] =	sst s7  }
0x10: {  	[smem:$0x3FB3] =	sst s8  }
0x11: {  	[smem:$0x3FB4] =	sst s9;
	s0 =	simm.s32 @!p0 $0x0  }
0x12: {  	s1 =	sld [smem:$0x3F9A];
	s0 =	simm.s32 @p0 $0x1  }
0x13: {  	[smem:$0x3FB5] =	sst s0;
	s0 =	simm.s32 @!p1 $0x0  }
0x14: {  	s2 =	sld [smem:$0x3F99];
	s0 =	simm.s32 @p1 $0x1  }
0x15: {  	[smem:$0x3FB6] =	sst s0;
	s0 =	simm.s32 @!p2 $0x0  }
0x16: {  	s3 =	sld [smem:$0x3FDB];
	s0 =	simm.s32 @p2 $0x1  }
0x17: {  	s4 =	simm.s32 $0x1BF5;
	[smem:$0x3FB8] =	sst s0  }
0x18: {  	s0 =	sld [smem:$0x3F9B];
	_ =	swait.ge [sflag:s4], $0x0  }
0x19: {  	s7 =	sld [smem:$0x3F9C]  }
0x1a: {  	s8 =	sadd.s32 $0xFFFFE003, lr  }
0x1b: {  	s9 =	sadd.s32 $0xFFFFFEF7, lr;
	s5 =	simm.s32 $0xFFFFFFFF;
	p2 =	slt.u32 s8, $0xFFFFF086  }
0x1c: {  	p1 =	slt.u32 s9, $0xF7A;
	s5 =	simm.s32 @!p2 $0x0  }
0x1d: {  	s5 =	simm.s32 @p1 $0x1;
	p0 =	seq.s32 s7, s2  }
0x1e: {  	s7 =	smul.u32 @!p0 $0xF7A, s2;
	p2 =	seq.s32 @!p0 s5, $0x0  }
0x1f: {  	s9 =	smul.u32 $0xF7A, s1;
	s8 =	simm.s32 @!p0 $0x1BF5;
	p2 =	por !p2, p0  }
0x20: {  	[sflag:s8] =	ssyncset.s32 @!p0 $0xFFFFF086;
	s6 =	sadd.s32 @!p0 s3, s7;
	s7 =	simm.s32 @!p0 $0x108  }
0x21: {  	s3 =	sadd.s32 s3, s9;
	s6 =	sadd.s32 @!p0 $0x88, s6;
	s7 =	simm.s32 @p2 $0x1082  }
0x22: {  	[simem:s7], [sflag:s8] =	dma.local @!p0 [hbm:s6], $0xF7A  }
0x23: {  	s9 =	sor.u32 $0xD0000000, s2;
	s6 =	simm.s32 $0x108;
	_ =	swait.ge @!p0 [sflag:s8], $0x0  }
0x24: {  	s3 =	sadd.s32 $0x88, s3;
	s6 =	simm.s32 @!p1 $0x1082;
	[sflag:s4] =	ssyncset.s32 $0xFFFFF086  }
0x25: {  	[simem:s6], [sflag:s4] =	dma.local [hbm:s3], $0xF7A  }
0x26: {  	[smem:$0x3F9C] =	sst s1;
	(tag) =	ssettag s2;
	_ =	strace s9  }
0x27: {  	s1 =	sld [smem:$0x3FAC]  }
0x28: {  	s2 =	sld [smem:$0x3FAD]  }
0x29: {  	s4 =	sld [smem:$0x3FAF]  }
0x2a: {  	p0 =	seq.s32 s5, $0x0;
	s5 =	sld [smem:$0x3FB0]  }
0x2b: {  	s6 =	sld [smem:$0x3FB1]  }
0x2c: {  	s7 =	sld [smem:$0x3FB2]  }
0x2d: {  	s3 =	simm.s32 $0x108;
	s8 =	sld [smem:$0x3FB3]  }
0x2e: {  	s3 =	simm.s32 @!p0 $0x1082;
	s9 =	sld [smem:$0x3FB4]  }
0x2f: {  	lr =	sadd.s32 s0, s3;
	s0 =	sld [smem:$0x3FAB]  }
0x30: {  	s3 =	sld [smem:$0x3FAE]  }
0x31: {  	[smem:$0x3FB7] =	sst s10  }
0x32: {  	s10 =	sld [smem:$0x3FB5];
	_ =	sdelay $0x3  }
0x33: {  	p0 =	seq.s32 s10, $0x1;
	s10 =	sld [smem:$0x3FB7];
	_ =	sdelay $0x3  }
0x34: {  	[smem:$0x3FB7] =	sst s10  }
0x35: {  	s10 =	sld [smem:$0x3FB6];
	_ =	sdelay $0x3  }
0x36: {  	p1 =	seq.s32 s10, $0x1;
	s10 =	sld [smem:$0x3FB7];
	_ =	sdelay $0x3  }
0x37: {  	[smem:$0x3FB7] =	sst s10  }
0x38: {  	s10 =	sld [smem:$0x3FB8]  }
0x39: {  	_ = 	snop;
	(pc) =	sbr.ind lr, $3  }
0x3a: {  	_ = 	snop  }
0x3b: {  	_ = 	snop  }
0x3c: {  	p2 =	seq.s32 s10, $0x1;
	s10 =	sld [smem:$0x3FB7]  }
0x3d: {  	_ =	shalt  }
0x3e: {  	_ =	shalt  }
0x3f: {  	_ =	shalt  }
0x40: {  	_ =	shalt  }
0x41: {  	_ =	shalt  }
0x42: {  	_ =	shalt  }
0x43: {  	_ =	shalt  }
0x44: {  	_ =	shalt  }
0x45: {  	_ =	shalt  }
0x46: {  	_ =	shalt  }
0x47: {  	_ =	shalt  }
0x48: {  	_ =	shalt  }
0x49: {  	_ =	shalt  }
0x4a: {  	_ =	shalt  }
0x4b: {  	_ =	shalt  }
0x4c: {  	_ =	shalt  }
0x4d: {  	_ =	shalt  }
0x4e: {  	_ =	shalt  }
0x4f: {  	_ =	shalt  }
0x50: {  	_ =	shalt  }
0x51: {  	_ =	shalt  }
0x52: {  	_ =	shalt  }
0x53: {  	_ =	shalt  }
0x54: {  	_ =	shalt  }
0x55: {  	_ =	shalt  }
0x56: {  	_ =	shalt  }
0x57: {  	_ =	shalt  }
0x58: {  	_ =	shalt  }
0x59: {  	_ =	shalt  }
0x5a: {  	_ =	shalt  }
0x5b: {  	_ =	shalt  }
0x5c: {  	_ =	shalt  }
0x5d: {  	_ =	shalt  }
0x5e: {  	_ =	shalt  }
0x5f: {  	_ =	shalt  }
0x60: {  	_ =	shalt  }
0x61: {  	_ =	shalt  }
0x62: {  	_ =	shalt  }
0x63: {  	_ =	shalt  }
0x64: {  	_ =	shalt  }
0x65: {  	_ =	shalt  }
0x66: {  	_ =	shalt  }
0x67: {  	_ =	shalt  }
0x68: {  	_ =	shalt  }
0x69: {  	_ =	shalt  }
0x6a: {  	_ =	shalt  }
0x6b: {  	_ =	shalt  }
0x6c: {  	_ =	shalt  }
0x6d: {  	_ =	shalt  }
0x6e: {  	_ =	shalt  }
0x6f: {  	_ =	shalt  }
0x70: {  	_ =	shalt  }
0x71: {  	_ =	shalt  }
0x72: {  	_ =	shalt  }
0x73: {  	_ =	shalt  }
0x74: {  	_ =	shalt  }
0x75: {  	_ =	shalt  }
0x76: {  	_ =	shalt  }
0x77: {  	_ =	shalt  }
0x78: {  	_ =	shalt  }
0x79: {  	_ =	shalt  }
0x7a: {  	_ =	shalt  }
0x7b: {  	_ =	shalt  }
0x7c: {  	_ =	shalt  }
0x7d: {  	_ =	shalt  }
0x7e: {  	_ =	shalt  }
0x7f: {  	_ =	shalt  }
0x80: {  	_ =	shalt  }
0x81: {  	_ =	shalt  }
0x82: {  	_ =	shalt  }
0x83: {  	_ =	shalt  }
0x84: {  	_ =	shalt  }
0x85: {  	_ =	shalt  }
0x86: {  	_ =	shalt  }
0x87: {  	_ =	shalt  }
.Lfunc_end0:
.L_simem_size_0:
called_computation.1_lowered:
.L_overlay_start_0:
0x88: {  	s2 =	sld [smem:$0x3FD9]  }
0x89: {  	s3 =	sld [smem:$0x3FFE];
	_ =	sdelay $0x1  }
0x8a: {  	s1 =	srdreg.scid  }
0x8b: {  	s0 =	sand.u32 $0x1, s1  }
0x8c: {  	s16 =	sshll.u32 s0, $0xA;
	s2 =	sadd.s32 s3, s2  }
0x8d: {  	s2 =	sadd.s32 s2, s16  }
0x8e: {  	[smem:$0x3FC3] =	sst s2  }
0x8f: {  	_ = 	snop  }
0x90: {  	(tm) =	ssettm $0x1  }
0x91: {  	s17 =	sld [smem:$0x3FFB];
	_ =	sdelay $0x3  }
0x92: {  	_ =	strace s17  }
0x93: {  	s2 =	sld [smem:$0x3FFC];
	_ =	sdelay $0x3  }
0x94: {  	_ =	strace s2  }
0x95: {  	s2 =	sld [smem:$0x3FFD];
	_ =	sdelay $0x3  }
0x96: {  	_ =	strace s2  }
0x97: {  	_ =	strace $0x8FFFFFFF  }
0x98: {  	s18 =	sld [smem:$0x3FDB];
	_ =	sdelay $0x1  }
0x99: {  	s19 =	simm.s32 $_scs_section_size  }
0x9a: {  	s4 =	simm.s32 $_size__tile_overlayer_lowered;
	s5 =	simm.s32 $_tile_overlayer_lowered  }
0x9b: {  	s22 =	simm.s32 $0x1BFF;
	s21 =	sshll.u32 s5, $0x1;
	s2 =	sadd.s32 s19, s18  }
0x9c: {  	s6 =	simm.s32 $0x0;
	s20 =	sshll.u32 s4, $0x1;
	s4 =	sadd.s32 s21, s2  }
0x9d: {  	[timem:s6], [sflag:s22] =	dma.local [hbm:s4], s20  }
0x9e: {  	_ =	swait.ge [sflag:s22], s20  }
0x9f: {  	s3 =	ssub.s32 $0x0, s20;
	[sflag:s22] =	ssyncset.done $0x0  }
0xa0: {  	[sflag:s22] =	ssyncadd.s32 s3;
	_ =	sdelay $0x1  }
0xa1: {  	s23 =	simm.s32 $0x1B8B  }
0xa2: {  	_ =	swait.ge [sflag:s23], $0x1  }
0xa3: {  	[sflag:s23] =	ssyncset.done $0x0  }
0xa4: {  	s25 =	simm.s32 $0x1B8E;
	s24 =	sld [smem:$0x3FFE];
	[sflag:s23] =	ssyncadd.s32 $0xFFFFFFFF  }
0xa5: {  	s26 =	simm.s32 $execute0_lowered;
	[smem:$0x3FD2] =	sst s25  }
0xa6: {  	s4 =	sshll.u32 s26, $0x1;
	_ =	strace $0x80000049;
	[dreg:$0x1] =	wrdreg $0xFFFFFFFF  }
0xa7: {  	s28 =	simm.s32 $_size_execute0_lowered;
	s2 =	sadd.s32 s2, s4;
	[dreg:$0x0] =	wrdreg $0x0  }
0xa8: {  	s4 =	sshll.u32 s28, $0x1;
	[dreg:$0x2] =	wrdreg s2  }
0xa9: {  	[dreg:$0x3] =	wrdreg s4  }
0xaa: {  	[dreg:$0x4] =	wrdreg $0xC0  }
0xab: {  	_ =	task [dreg:s6], $0x5FFFF  }
0xac: {  	[dreg:$0x1] =	wrdreg $0xFFFFFFFF  }
0xad: {  	[dreg:$0x0] =	wrdreg $0x60  }
0xae: {  	[dreg:$0x2] =	wrdreg s24  }
0xaf: {  	[dreg:$0x3] =	wrdreg $0x188000  }
0xb0: {  	[dreg:$0x4] =	wrdreg $0x1A1000  }
0xb1: {  	[dreg:$0x5] =	wrdreg $0x1BA000  }
0xb2: {  	[dreg:$0x6] =	wrdreg $0x9  }
0xb3: {  	_ =	task.clear_ibuf [dreg:s6], $0x7FFFF;
	_ =	strace $0x90000049  }
0xb4: {  	s29 =	simm.s32 $0x9;
	_ =	strace $0x8000004B  }
0xb5: {  	_ =	swait.ge [sflag:s29], $0x1  }
0xb6: {  	[sflag:s29] =	ssyncadd.s32 $0xFFFFFFFF  }
0xb7: {  	_ =	strace $0x9000004B  }
0xb8: {  	_ =	sfence  }
0xb9: {  	s30 =	sld [smem:$0x0];
	_ =	sdelay $0x2  }
0xba: {  	s31 =	sshll.u32 s1, $0xD;
	s1 =	sshrl.u32 s1, $0x2  }
0xbb: {  	s3 =	sand.u32 $0x4000, s31;
	s1 =	sadd.s32 s1, s30  }
0xbc: {  	s0 =	sor.u32 s3, s0;
	s1 =	sshll.u32 s1, $0x11  }
0xbd: {  	s0 =	sor.u32 s1, s0  }
0xbe: {  	s0 =	sadd.s32 $0x8F2B, s0  }
0xbf: {  	[sflag:s0] =	ssyncadd.remote.s32 $0x1  }
0xc0: {  	_ =	sfence.sel $0xFFFF  }
0xc1: {  	[dreg:$0x0] =	wrdreg $0xFFFFFFFF;
	(pc) =	sbr.abs _section_cstart, $3  }
0xc2: {  	[dreg:$0x1] =	wrdreg $0xFFFFFFFF  }
0xc3: {  	_ =	task.clear_ibuf [dreg:s6], $0x2FFFF;
	_ =	strace $0x9FFFFFFF  }
0xc4: {  	(tm) =	ssettm $0x7FFFFFFF  }
0xc5: {  	_ =	shalt  }
tec
execute0_lowered:
.L_overlay_start_1:
0x0: {  	(tag) =	ssettag $0x1  }
0x1: {  	s7 =	rddreg [dreg:$0x0]  }
0x2: {  	s2 =	rddreg [dreg:$0x1]  }
0x3: {  	s3 =	rddreg [dreg:$0x2]  }
0x4: {  	s4 =	rddreg [dreg:$0x3]  }
0x5: {  	s0 =	stileid.u32;
	s6 =	srdreg.scid  }
0x6: {  	s1 =	rddreg [dreg:$0x4];
	s5 =	simm.s32 $0x0;
	s19 =	simm.s32 $0x12600  }
0x7: {  	s20 =	simm.s32 $0x6200;
	s21 =	simm.s32 $0x61A8;
	s22 =	simm.s32 $0x1  }
0x8: {  	s23 =	simm.s32 $0x2;
	s24 =	simm.s32 $0x3;
	s25 =	simm.s32 $0x0  }
0x9: {  	s11 =	smul.u32 $0x1900, s0;
	s8 =	sand.u32 $0x1, s6;
	[smem:$0x7FF] =	sst s5  }
0xa: {  	s6 =	sadd.s32 $0x18D600, s7;
	s16 =	sadd.s32 $0x800, s7;
	s15 =	smul.u32 $0x30D40, s0  }
0xb: {  	s9 =	smul.u32 $0x32000, s8;
	_ =	strace $0x8000004A;
	s12 =	ssub.s32 $0x2, s8  }
0xc: {  	s13 =	smul.u32 $0x30D400, s8;
	s30 =	sshrl.u32 s11, $0x3;
	s31 =	sshrl.u32 s12, $0x1  }
0xd: {  	s8 =	sadd.s32 s11, s2;
	s10 =	sadd.s32 s30, s7;
	s9 =	sadd.s32 s11, s9  }
0xe: {  	s17 =	ssub.s32 s12, s31;
	s15 =	sadd.s32 s15, s13;
	s9 =	sshrl.u32 s9, $0x3  }
0xf: {  	s18 =	sadd.s32 $0x61A800, s15;
	s15 =	sshrl.u32 s15, $0x3;
	s14 =	sadd.s32 s9, s7  }
0x10: {  	s7 =	sadd.s32 $0x187200, s10;
	s9 =	sadd.s32 $0x18A400, s10;
	s10 =	sadd.s32 s11, s3  }
0x11: {  	s11 =	sadd.s32 s11, s4;
	s18 =	sshrl.u32 s18, $0x3;
	s15 =	sadd.s32 s15, s16  }
0x12: {  	s12 =	sadd.s32 $0x18E400, s14;
	s13 =	sadd.s32 $0x191600, s14;
	s14 =	smax.u32 s17, $0x1  }
0x13: {  	s16 =	sadd.s32 s18, s16;
	s17 =	simm.s32 $0xC400;
	s18 =	simm.s32 $0x4  }
.LBB2_1:
0x14: {  	[tilespmem:s17], [sflag:$0x4] =	stream.linear.gather [hbm4b:s7+s5], $0x1900, $0x38;
	[tilespmem:$0x1D300] =	vst v63  }
0x15: {  	_ =	swait.ge [sflag:s18], $0x1900  }
0x16: {  	[sflag:s18] =	ssyncset.done $0x0  }
0x17: {  	[sflag:s18] =	ssyncadd.s32 $0xFFFFE700  }
0x18: {  	[spmem:s8] =	stream.linear.scatter [tilespmem:s17], [sflag:$0x4], $0x1900, $0x38;
	[tilespmem:$0x1D300] =	vst v63  }
0x19: {  	_ =	swait.ge [sflag:s18], $0x1900  }
0x1a: {  	[sflag:s18] =	ssyncset.done $0x0  }
0x1b: {  	[sflag:s18] =	ssyncadd.s32 $0xFFFFE700  }
0x1c: {  	[tilespmem:s17], [sflag:$0x4] =	stream.linear.gather [hbm4b:s9+s5], $0x1900, $0x38;
	[tilespmem:$0x1D300] =	vst v63  }
0x1d: {  	_ =	swait.ge [sflag:s18], $0x1900  }
0x1e: {  	[sflag:s18] =	ssyncset.done $0x0  }
0x1f: {  	[sflag:s18] =	ssyncadd.s32 $0xFFFFE700  }
0x20: {  	[spmem:s10] =	stream.linear.scatter [tilespmem:s17], [sflag:$0x4], $0x1900, $0x38;
	[tilespmem:$0x1D300] =	vst v63  }
0x21: {  	_ =	swait.ge [sflag:s18], $0x1900  }
0x22: {  	[sflag:s18] =	ssyncset.done $0x0  }
0x23: {  	[sflag:s18] =	ssyncadd.s32 $0xFFFFE700  }
0x24: {  	[spmem:s11] =	stream.linear.scatter [tilespmem:s17], [sflag:$0x4], $0x1900, $0x38;
	[tilespmem:$0x1D300] =	vst v63  }
0x25: {  	_ =	swait.ge [sflag:s18], $0x1900  }
0x26: {  	[sflag:s18] =	ssyncset.done $0x0  }
0x27: {  	[sflag:s18] =	ssyncadd.s32 $0xFFFFE700  }
0x28: {  	[tilespmem:s19], [sflag:$0x4] =	stream.linear.gather [hbm4b:s6+s5], $0x6200, $0x38;
	[tilespmem:$0x1D300] =	vst v63  }
0x29: {  	_ =	swait.ge [sflag:s18], $0x6200  }
0x2a: {  	[sflag:s18] =	ssyncset.done $0x0  }
0x2b: {  	[sflag:s18] =	ssyncadd.s32 $0xFFFF9E00  }
0x2c: {  	s26 =	sadd.s32 $0x0, s15;
	[bflag:$0x0] =	sbarrier.arrive $0xFFFF  }
0x2d: {  	[tilespmem:s5], [sflag:$0x4] =	stream.linear.gather [hbm4b:s26+s5], $0x61A8, $0x38;
	[tilespmem:$0x1D300] =	vst v63  }
0x2e: {  	_ =	swait.ge [sflag:s18], $0x61A8  }
0x2f: {  	[sflag:s18] =	ssyncset.done $0x0  }
0x30: {  	s31 =	sadd.s32 $0x0, s16;
	[sflag:s18] =	ssyncadd.s32 $0xFFFF9E58  }
0x31: {  	[tilespmem:s20], [sflag:$0x4] =	stream.linear.gather [hbm4b:s31+s5], $0x61A8, $0x38;
	[tilespmem:$0x1D300] =	vst v63  }
0x32: {  	_ =	swait.ge [sflag:s18], $0x61A8  }
0x33: {  	[sflag:s18] =	ssyncset.done $0x0  }
0x34: {  	[sflag:s18] =	ssyncadd.s32 $0xFFFF9E58  }
0x35: {  	[tilespmem:s17], [sflag:$0x1] =	stream.indirect.gather [spmem:s2], $0x1, s5, s21, $0xb8;
	[tilespmem:$0x1D300] =	vst v63  }
0x36: {  	_ = 	snop  }
0x37: {  	[spmem:s4] =	stream.indirect.scatter.add.f32 [tilespmem:s19], [sflag:$0x3], $0x1, s20, s21, $0xb8;
	[tilespmem:$0x1D300] =	vst v63  }
0x38: {  	_ =	swait.ge [sflag:s22], $0x61A8  }
0x39: {  	[sflag:s22] =	ssyncset.done $0x0  }
0x3a: {  	[sflag:s22] =	ssyncadd.s32 $0xFFFF9E58  }
0x3b: {  	[spmem:s3] =	stream.indirect.scatter.add.f32 [tilespmem:s17], [sflag:$0x2], $0x1, s20, s21, $0xb8;
	[tilespmem:$0x1D300] =	vst v63  }
0x3c: {  	_ =	swait.ge [sflag:s23], $0x61A8  }
0x3d: {  	[sflag:s23] =	ssyncset.done $0x0  }
0x3e: {  	[sflag:s23] =	ssyncadd.s32 $0xFFFF9E58  }
0x3f: {  	_ =	swait.ge [sflag:s24], $0x61A8  }
0x40: {  	s28 =	simm.s32 $0x186A;
	s26 =	simm.s32 $0xC35;
	[sflag:s24] =	ssyncset.done $0x0  }
.LBB2_2:
0x41: {  	s29 =	sadd.s32 s26, s15  }
0x42: {  	[sflag:s24] =	ssyncadd.s32 $0xFFFF9E58;
	s30 =	smov.u32 s28;
	s31 =	sadd.s32 $0xC35, s28  }
0x43: {  	[tilespmem:s5], [sflag:$0x4] =	stream.linear.gather [hbm4b:s29+s5], $0x61A8, $0x38;
	[tilespmem:$0x1D300] =	vst v63  }
0x44: {  	p0 =	sne.s32 s28, $0x5573;
	_ =	swait.ge [sflag:s18], $0x61A8  }
0x45: {  	[sflag:s18] =	ssyncset.done $0x0  }
0x46: {  	s28 =	sadd.s32 s26, s16;
	s26 =	smov.u32 s30;
	[sflag:s18] =	ssyncadd.s32 $0xFFFF9E58  }
0x47: {  	[tilespmem:s20], [sflag:$0x4] =	stream.linear.gather [hbm4b:s28+s5], $0x61A8, $0x38;
	[tilespmem:$0x1D300] =	vst v63  }
0x48: {  	_ =	swait.ge [sflag:s18], $0x61A8  }
0x49: {  	[sflag:s18] =	ssyncset.done $0x0  }
0x4a: {  	[sflag:s18] =	ssyncadd.s32 $0xFFFF9E58  }
0x4b: {  	[tilespmem:s17], [sflag:$0x1] =	stream.indirect.gather [spmem:s2], $0x1, s5, s21, $0xb8;
	[tilespmem:$0x1D300] =	vst v63  }
0x4c: {  	_ = 	snop  }
0x4d: {  	[spmem:s4] =	stream.indirect.scatter.add.f32 [tilespmem:s19], [sflag:$0x3], $0x1, s20, s21, $0xb8;
	[tilespmem:$0x1D300] =	vst v63  }
0x4e: {  	_ =	swait.ge [sflag:s22], $0x61A8  }
0x4f: {  	[sflag:s22] =	ssyncset.done $0x0  }
0x50: {  	[sflag:s22] =	ssyncadd.s32 $0xFFFF9E58  }
0x51: {  	[spmem:s3] =	stream.indirect.scatter.add.f32 [tilespmem:s17], [sflag:$0x2], $0x1, s20, s21, $0xb8;
	[tilespmem:$0x1D300] =	vst v63  }
.Ltmp0:
0x52: {  	_ =	swait.ge [sflag:s23], $0x61A8;
	(pc) =	sbr.rel @p0 .LBB2_2-.Ltmp0, $4  }
0x53: {  	[sflag:s23] =	ssyncset.done $0x0  }
0x54: {  	[sflag:s23] =	ssyncadd.s32 $0xFFFF9E58  }
0x55: {  	_ =	swait.ge [sflag:s24], $0x61A8  }
0x56: {  	s28 =	smov.u32 s31;
	[sflag:s24] =	ssyncset.done $0x0  }
0x57: {  	s28 =	sadd.s32 s26, s15;
	[sflag:s24] =	ssyncadd.s32 $0xFFFF9E58  }
0x58: {  	[tilespmem:s5], [sflag:$0x4] =	stream.linear.gather [hbm4b:s28+s5], $0x61A8, $0x38;
	[tilespmem:$0x1D300] =	vst v63  }
0x59: {  	_ =	swait.ge [sflag:s18], $0x61A8  }
0x5a: {  	[sflag:s18] =	ssyncset.done $0x0  }
0x5b: {  	s31 =	sadd.s32 s26, s16;
	[sflag:s18] =	ssyncadd.s32 $0xFFFF9E58  }
0x5c: {  	[tilespmem:s20], [sflag:$0x4] =	stream.linear.gather [hbm4b:s31+s5], $0x61A8, $0x38;
	[tilespmem:$0x1D300] =	vst v63  }
0x5d: {  	_ =	swait.ge [sflag:s18], $0x61A8  }
0x5e: {  	[sflag:s18] =	ssyncset.done $0x0  }
0x5f: {  	[sflag:s18] =	ssyncadd.s32 $0xFFFF9E58  }
0x60: {  	[tilespmem:s17], [sflag:$0x1] =	stream.indirect.gather [spmem:s2], $0x1, s5, s21, $0xb8;
	[tilespmem:$0x1D300] =	vst v63  }
0x61: {  	_ = 	snop  }
0x62: {  	[spmem:s4] =	stream.indirect.scatter.add.f32 [tilespmem:s19], [sflag:$0x3], $0x1, s20, s21, $0xb8;
	[tilespmem:$0x1D300] =	vst v63  }
0x63: {  	_ =	swait.ge [sflag:s22], $0x61A8  }
0x64: {  	[sflag:s22] =	ssyncset.done $0x0  }
0x65: {  	[sflag:s22] =	ssyncadd.s32 $0xFFFF9E58  }
0x66: {  	[spmem:s3] =	stream.indirect.scatter.add.f32 [tilespmem:s17], [sflag:$0x2], $0x1, s20, s21, $0xb8;
	[tilespmem:$0x1D300] =	vst v63  }
0x67: {  	_ =	swait.ge [sflag:s23], $0x61A8  }
0x68: {  	[sflag:s23] =	ssyncset.done $0x0  }
0x69: {  	[sflag:s23] =	ssyncadd.s32 $0xFFFF9E58  }
0x6a: {  	_ =	swait.ge [sflag:s24], $0x61A8  }
0x6b: {  	[sflag:s24] =	ssyncset.done $0x0  }
0x6c: {  	[sflag:s24] =	ssyncadd.s32 $0xFFFF9E58  }
0x6d: {  	[bflag:$0x0] =	sbarrier.arrive $0xFFFF  }
0x6e: {  	[tilespmem:s17], [sflag:$0x4] =	stream.linear.gather [spmem:s10], $0x1900, $0x38;
	[tilespmem:$0x1D300] =	vst v63  }
0x6f: {  	_ =	swait.ge [sflag:s18], $0x1900  }
0x70: {  	[sflag:s18] =	ssyncset.done $0x0  }
0x71: {  	[sflag:s18] =	ssyncadd.s32 $0xFFFFE700  }
0x72: {  	[hbm4b:s12+s5] =	stream.linear.scatter [tilespmem:s17], [sflag:$0x4], $0x1900, $0x38;
	[tilespmem:$0x1D300] =	vst v63  }
0x73: {  	_ =	swait.ge [sflag:s18], $0x1900  }
0x74: {  	[sflag:s18] =	ssyncset.done $0x0  }
0x75: {  	[sflag:s18] =	ssyncadd.s32 $0xFFFFE700  }
0x76: {  	[tilespmem:s17], [sflag:$0x4] =	stream.linear.gather [spmem:s11], $0x1900, $0x38;
	[tilespmem:$0x1D300] =	vst v63  }
0x77: {  	s25 =	sadd.s32 $0x1, s25;
	_ =	swait.ge [sflag:s18], $0x1900  }
0x78: {  	p0 =	sne.s32 s25, s14;
	[sflag:s18] =	ssyncset.done $0x0  }
.Ltmp1:
0x79: {  	[sflag:s18] =	ssyncadd.s32 $0xFFFFE700;
	(pc) =	sbr.rel @p0 .LBB2_1-.Ltmp1, $4  }
0x7a: {  	[hbm4b:s13+s5] =	stream.linear.scatter [tilespmem:s17], [sflag:$0x4], $0x1900, $0x38;
	[tilespmem:$0x1D300] =	vst v63  }
0x7b: {  	_ =	swait.ge [sflag:s18], $0x1900  }
0x7c: {  	[sflag:s18] =	ssyncset.done $0x0  }
0x7d: {  	[sflag:s18] =	ssyncadd.s32 $0xFFFFE700  }
0x7e: {  	_ =	sfence.sel $0x180000  }
0x7f: {  	[bflag:$0x0] =	sbarrier.arrive $0xFFFF  }
0x80: {  	p0 =	sne.s32 s0, $0x0;
	_ =	strace $0x9000004A  }
0x81: {  	s0 =	sadd.s32 @!p0 $0x100000, s1;
	[bflag:$0x2] =	sbarrier.arrive $0xFFFF  }
0x82: {  	[sflag:s0] =	ssyncadd.tile.s32 @!p0 $0x1;
	_ =	shalt  }
.Lfunc_end2:
_tile_overlayer_lowered:
.L_overlay_start_2:
0x83: {  	(tag) =	ssettag $0x2  }
0x84: {  	s0 =	rddreg [dreg:$0x0];
	s2 =	stileid.u32  }
0x85: {  	s1 =	rddreg [dreg:$0x1];
	p0 =	sne.s32 s2, $0x0  }
0x86: {  	s3 =	rddreg [dreg:$0x2];
	[bflag:$0x3] =	sbarrier.arrive $0xFFFF;
	s2 =	simm.s32 @!p0 $0x1C04  }
0x87: {  	[timem:s3], [sflag:s2] =	dma.local @!p0 [hbm:s0], s1  }
0x88: {  	s0 =	simm.s32 @!p0 $0x4  }
0x89: {  	_ =	swait.ge @!p0 [sflag:s0], s1  }
0x8a: {  	s1 =	ssub.s32 @!p0 $0x0, s1;
	[sflag:s0] =	ssyncset.done @!p0 $0x0  }
0x8b: {  	[sflag:s0] =	ssyncadd.s32 @!p0 s1  }
0x8c: {  	[bflag:$0x3] =	sbarrier.arrive $0xFFFF  }
0x8d: {  	_ =	shalt  }

// kernel: sparse-core-data-format-call.cloned.1.call-start
scs
called_computation_lowered:
.L_overlay_start_0:
0x0: {  	s2 =	sld [smem:$0x3FD9]  }
0x1: {  	s3 =	sld [smem:$0x3FFE];
	_ =	sdelay $0x1  }
0x2: {  	s1 =	srdreg.scid  }
0x3: {  	s0 =	sand.u32 $0x1, s1  }
0x4: {  	s18 =	sshll.u32 s0, $0xA;
	s2 =	sadd.s32 s3, s2  }
0x5: {  	s2 =	sadd.s32 s2, s18  }
0x6: {  	[smem:$0x3FC3] =	sst s2  }
0x7: {  	_ = 	snop  }
0x8: {  	s2 =	sld [smem:$0x3FC8];
	(tm) =	ssettm $0x1  }
0x9: {  	s19 =	sld [smem:$0x3FFB];
	_ =	sdelay $0x3  }
0xa: {  	_ =	strace s19  }
0xb: {  	s3 =	sld [smem:$0x3FFC];
	_ =	sdelay $0x3  }
0xc: {  	_ =	strace s3  }
0xd: {  	s3 =	sld [smem:$0x3FFD];
	_ =	sdelay $0x3  }
0xe: {  	_ =	strace s3  }
0xf: {  	_ =	strace $0x8FFFFFFF  }
0x10: {  	s20 =	sld [smem:$0x3FDB];
	_ =	sdelay $0x1  }
0x11: {  	s4 =	simm.s32 $_scs_section_size  }
0x12: {  	s5 =	simm.s32 $_size__tile_overlayer_lowered;
	s6 =	simm.s32 $_tile_overlayer_lowered  }
0x13: {  	s23 =	simm.s32 $0x1BFF;
	s22 =	sshll.u32 s6, $0x1;
	s3 =	sadd.s32 s4, s20  }
0x14: {  	s7 =	simm.s32 $0x0;
	s21 =	sshll.u32 s5, $0x1;
	s5 =	sadd.s32 s22, s3  }
0x15: {  	[timem:s7], [sflag:s23] =	dma.local [hbm:s5], s21  }
0x16: {  	_ =	swait.ge [sflag:s23], s21  }
0x17: {  	s4 =	ssub.s32 $0x0, s21;
	[sflag:s23] =	ssyncset.done $0x0  }
0x18: {  	[sflag:s23] =	ssyncadd.s32 s4;
	_ =	sdelay $0x1  }
0x19: {  	s24 =	simm.s32 $0x1B8B  }
0x1a: {  	_ =	swait.ge [sflag:s24], $0x1  }
0x1b: {  	[sflag:s24] =	ssyncset.done $0x0  }
0x1c: {  	s26 =	simm.s32 $0x1B8E;
	s25 =	sld [smem:$0x3FFE];
	[sflag:s24] =	ssyncadd.s32 $0xFFFFFFFF  }
0x1d: {  	s27 =	simm.s32 $execute0_lowered;
	[smem:$0x3FD2] =	sst s26  }
0x1e: {  	s5 =	sshll.u32 s27, $0x1;
	_ =	strace $0x80000046;
	[dreg:$0x1] =	wrdreg $0xFFFFFFFF  }
0x1f: {  	s28 =	simm.s32 $_size_execute0_lowered;
	s3 =	sadd.s32 s3, s5;
	[dreg:$0x0] =	wrdreg $0x0  }
0x20: {  	s5 =	sshll.u32 s28, $0x1;
	[dreg:$0x2] =	wrdreg s3  }
0x21: {  	[dreg:$0x3] =	wrdreg s5  }
0x22: {  	[dreg:$0x4] =	wrdreg $0xC0  }
0x23: {  	_ =	task [dreg:s7], $0x5FFFF  }
0x24: {  	[dreg:$0x1] =	wrdreg $0xFFFFFFFF  }
0x25: {  	[dreg:$0x0] =	wrdreg $0x60  }
0x26: {  	[dreg:$0x2] =	wrdreg s2  }
0x27: {  	[dreg:$0x3] =	wrdreg s25  }
0x28: {  	[dreg:$0x4] =	wrdreg $0x9  }
0x29: {  	_ =	task.clear_ibuf [dreg:s7], $0x5FFFF;
	_ =	strace $0x90000046  }
0x2a: {  	s29 =	simm.s32 $0x9;
	_ =	strace $0x80000048  }
0x2b: {  	_ =	swait.ge [sflag:s29], $0x1  }
0x2c: {  	[sflag:s29] =	ssyncadd.s32 $0xFFFFFFFF  }
0x2d: {  	_ =	strace $0x90000048  }
0x2e: {  	_ =	sfence  }
0x2f: {  	s30 =	sld [smem:$0x0];
	_ =	sdelay $0x2  }
0x30: {  	s31 =	sshll.u32 s1, $0xD;
	s1 =	sshrl.u32 s1, $0x2  }
0x31: {  	s3 =	sand.u32 $0x4000, s31;
	s1 =	sadd.s32 s1, s30  }
0x32: {  	s0 =	sor.u32 s3, s0;
	s1 =	sshll.u32 s1, $0x11  }
0x33: {  	s0 =	sor.u32 s1, s0  }
0x34: {  	s0 =	sadd.s32 $0x8F2B, s0  }
0x35: {  	[sflag:s0] =	ssyncadd.remote.s32 $0x1  }
0x36: {  	_ =	sfence.sel $0xFFFF  }
0x37: {  	[dreg:$0x0] =	wrdreg $0xFFFFFFFF;
	(pc) =	sbr.abs _section_cstart, $3  }
0x38: {  	[dreg:$0x1] =	wrdreg $0xFFFFFFFF  }
0x39: {  	_ =	task.clear_ibuf [dreg:s7], $0x2FFFF;
	_ =	strace $0x9FFFFFFF  }
0x3a: {  	(tm) =	ssettm $0x7FFFFFFF  }
0x3b: {  	_ =	shalt  }
tec
execute0_lowered:
.L_overlay_start_1:
0x0: {  	(tag) =	ssettag $0x1  }
0x1: {  	s0 =	stileid.u32;
	s7 =	rddreg [dreg:$0x0]  }
0x2: {  	s1 =	srdreg.scid;
	s4 =	rddreg [dreg:$0x1]  }
0x3: {  	s30 =	simm.s32 $0x2;
	s10 =	simm.s32 $0x0;
	s14 =	simm.s32 $0x0  }
0x4: {  	s15 =	simm.s32 $0x0;
	s11 =	simm.s32 $0x0;
	s13 =	simm.s32 $0x0  }
0x5: {  	s2 =	sand.u32 $0x1, s1;
	s3 =	sshll.u32 s0, $0x7;
	s1 =	rddreg [dreg:$0x2]  }
0x6: {  	_ =	strace $0x80000047;
	s5 =	ssub.s32 $0xC300, s3;
	s6 =	ssub.s32 $0x2, s2  }
.Ltmp0:
0x7: {  	s5 =	sshrl.u32 s5, $0xB;
	s8 =	sshrl.u32 s6, $0x1;
	(pc) =	sbr.rel .LBB1_1-.Ltmp0, $4  }
0x8: {  	s4 =	sadd.s32 $0x800, s4;
	s9 =	sadd.s32 $0x1, s5;
	s6 =	ssub.s32 s6, s8  }
0x9: {  	s31 =	sshll.u32 s2, $0x4;
	s5 =	simm.s32 $0x1;
	s6 =	smul.u32 s9, s6  }
0xa: {  	s12 =	smov.u32 s3;
	s7 =	sadd.s32 s7, s31;
	[sflag:s5] =	ssyncpa.u1 $0x0  }
0xb: {  	s9 =	simm.s32 $0x0;
	[sflag:s30] =	ssyncpa.u1 $0x0;
	s8 =	sadd.s32 $0x1, s6  }
.LBB1_4:
0xc: {  	s21 =	simm.s32 $0x0  }
.LBB1_8:
0xd: {  	_ =	sdelay $0x3  }
0xe: {  	v6 =	vld [tilespmem:s18+$0xFFFFFFC0];
	[tilespmem:v0+s20+$0x30 ss:$0x1] =	vst.idx.msk @p0 $0xffff, v2  }
0xf: {  	v58 =	vld [tilespmem:s18+$0xFFFFFFD0];
	[tilespmem:v0+s20+$0x40 ss:$0x1] =	vst.idx.msk @p0 $0xffff, v3;
	s21 =	sadd.s32 @p0 $0x80, s21  }
0x10: {  	v59 =	vld [tilespmem:s18+$0xFFFFFFE0];
	[tilespmem:v0+s20+$0x50 ss:$0x1] =	vst.idx.msk @p0 $0xffff, v5;
	s19 =	smov.u32 @p0 s21  }
0x11: {  	v60 =	vld [tilespmem:s18+$0xFFFFFFF0];
	[tilespmem:v0+s20+$0x60 ss:$0x1] =	vst.idx.msk @p0 $0xffff, v4;
	s19 =	sand.u32 $0x3F80, s19  }
0x12: {  	v61 =	vld [tilespmem:s18+$0x0];
	[tilespmem:v0+s19+$0x70 ss:$0x1] =	vst.idx.msk $0xffff, v1  }
0x13: {  	v62 =	vld [tilespmem:s18+$0x10];
	[tilespmem:v0+s19+$0x0 ss:$0x1] =	vst.idx.msk $0xffff, v6  }
0x14: {  	v63 =	vld [tilespmem:s18+$0x20];
	[tilespmem:v0+s19+$0x10 ss:$0x1] =	vst.idx.msk $0xffff, v58  }
0x15: {  	[tilespmem:v0+s19+$0x20 ss:$0x1] =	vst.idx.msk $0xffff, v59  }
0x16: {  	[tilespmem:v0+s19+$0x30 ss:$0x1] =	vst.idx.msk $0xffff, v60  }
0x17: {  	[tilespmem:v0+s19+$0x40 ss:$0x1] =	vst.idx.msk $0xffff, v61  }
0x18: {  	[tilespmem:v0+s19+$0x50 ss:$0x1] =	vst.idx.msk $0xffff, v62  }
0x19: {  	[tilespmem:v0+s19+$0x60 ss:$0x1] =	vst.idx.msk $0xffff, v63  }
.LBB1_9:
0x1a: {  	s18 =	sand.u32 $0x1FFFFFF, s11  }
0x1b: {  	s19 =	smulhi.u32 $0x14F8B59, s18;
	_ =	sdelay $0x1  }
0x1c: {  	s19 =	sshrl.u32 s19, $0x8  }
0x1d: {  	s19 =	smul.u32 $0xC350, s19  }
0x1e: {  	s15 =	smul.u32 $0xC3500, s15  }
0x1f: {  	s18 =	ssub.s32 s18, s19  }
0x20: {  	s15 =	sadd.s32 s4, s15;
	s18 =	sshll.u32 s18, $0x4  }
0x21: {  	s15 =	sadd.s32 s18, s15  }
0x22: {  	[hbm4b:s15+s9] =	stream.linear.scatter [tilespmem:s17], [sflag:$0x2], s16, $0x38;
	[tilespmem:$0x10000] =	vst v63  }
.LBB1_10:
0x23: {  	p0 =	slt.u32 s13, $0x2  }
0x24: {  	p1 =	sgt.s32 @!p0 s14, $0xC2D0  }
0x25: {  	s15 =	smov.u32 s14;
	s16 =	sshra.s32 @!p0 s14, $0x1F;
	p1 =	por !p1, p0  }
0x26: {  	s14 =	sand.u32 @!p0 s16, s14;
	s15 =	simm.s32 @p1 $0xC2D0  }
0x27: {  	s14 =	ssub.s32 @!p0 s15, s14  }
0x28: {  	s14 =	sadd.s32 @!p0 $0xFFFF3D30, s14  }
0x29: {  	s15 =	sshll.u32 @!p0 s14, $0x7  }
0x2a: {  	p1 =	sgt.s32 @!p0 s14, $0x7F;
	s14 =	ssub.s32 @!p0 $0x4000, s15  }
0x2b: {  	s16 =	sadd.s32 $0x800, s12;
	p1 =	por !p1, p0;
	s14 =	sand.u32 @!p0 $0x3FFFFF80, s14  }
0x2c: {  	s14 =	simm.s32 @!p1 $0x0;
	p1 =	sgt.s32 s16, $0xC34F  }
0x2d: {  	s16 =	smov.u32 @p1 s3;
	p1 =	sne.s32 s13, s8  }
.Ltmp1:
0x2e: {  	_ = 	snop;
	(pc) =	sbr.rel @!p1 .LBB1_11-.Ltmp1, $4  }
0x2f: {  	s10 =	sadd.s32 $0x4000, s10;
	s15 =	simm.s32 @!p0 $0x2  }
0x30: {  	_ =	swait.ge @!p0 [sflag:s15], s14;
	s17 =	ssub.s32 @!p0 $0x0, s14;
	s14 =	smov.u32 s11  }
0x31: {  	s13 =	sadd.s32 $0x1, s13;
	s11 =	smov.u32 s12;
	[sflag:s15] =	ssyncset.done @!p0 $0x0  }
0x32: {  	s12 =	smov.u32 s16;
	[sflag:s15] =	ssyncadd.s32 @!p0 s17;
	s15 =	smov.u32 s2  }
.LBB1_1:
0x33: {  	p0 =	sge.u32 s13, s6  }
0x34: {  	p1 =	sgt.s32 @!p0 s12, $0xC2D0  }
0x35: {  	s16 =	smov.u32 s12;
	s17 =	sshra.s32 @!p0 s12, $0x1F;
	p1 =	por !p1, p0  }
0x36: {  	s17 =	sand.u32 @!p0 s17, s12;
	s16 =	simm.s32 @p1 $0xC2D0  }
0x37: {  	s16 =	ssub.s32 @!p0 s16, s17  }
0x38: {  	s31 =	sadd.s32 $0xFFFFFFFF, s13;
	s18 =	sxor.u32 @!p0 $0xFFFFFFFF, s13;
	s16 =	sadd.s32 @!p0 $0xFFFF3D30, s16  }
0x39: {  	s19 =	simm.s32 @!p0 $0x80;
	s20 =	simm.s32 @!p0 $0x100;
	s17 =	sshll.u32 @!p0 s16, $0x7  }
0x3a: {  	p1 =	sgt.s32 @!p0 s16, $0x7F;
	s16 =	ssub.s32 @!p0 $0x4000, s17;
	s17 =	sshll.u32 @!p0 s18, $0xE  }
0x3b: {  	p1 =	por !p1, p0;
	s18 =	sshll.u32 @!p0 s12, $0x5;
	s16 =	sand.u32 @!p0 $0x3FFFFF80, s16  }
0x3c: {  	s17 =	sand.u32 @!p0 $0x4000, s17;
	s18 =	sadd.s32 @!p0 s18, s7;
	s16 =	simm.s32 @!p1 $0x0  }
0x3d: {  	[tilespmem:s17], [sflag:$0x1] =	stream.strided.gather @!p0 [hbm4b:s18+s19], s16, s20, s19, $0x38;
	[tilespmem:$0x10000] =	vst v63  }
0x3e: {  	p0 =	sge.u32 s31, s6  }
.Ltmp2:
0x3f: {  	_ = 	snop;
	(pc) =	sbr.rel @p0 .LBB1_10-.Ltmp2, $1  }
0x40: {  	_ =	sdelay $0x3  }
0x41: {  	p0 =	sgt.s32 s11, $0xC2D0;
	s16 =	smov.u32 s11;
	s17 =	sshra.s32 s11, $0x1F  }
0x42: {  	s16 =	simm.s32 @!p0 $0xC2D0;
	s17 =	sand.u32 s17, s11  }
0x43: {  	s16 =	ssub.s32 s16, s17  }
0x44: {  	s16 =	sadd.s32 $0xFFFF3D30, s16  }
0x45: {  	s30 =	sshll.u32 s16, $0x7  }
0x46: {  	s17 =	ssub.s32 $0x4000, s30  }
0x47: {  	p0 =	sgt.s32 s16, $0x7F;
	s16 =	sand.u32 $0x3FFFFF80, s17;
	s17 =	sadd.s32 $0x80, s11  }
0x48: {  	s16 =	simm.s32 @p0 $0x0;
	p0 =	slt.s32 s17, $0xC350  }
0x49: {  	s17 =	simm.s32 @!p0 $0xC350  }
0x4a: {  	s20 =	ssub.s32 s17, s11  }
0x4b: {  	p0 =	slt.s32 s20, $0x1  }
.Ltmp3:
0x4c: {  	_ = 	snop;
	(pc) =	sbr.rel @p0 .LBB1_9-.Ltmp3, $4  }
0x4d: {  	_ = 	snop  }
0x4e: {  	s19 =	sshll.u32 s13, $0xE;
	_ =	swait.ge [sflag:s5], s16  }
0x4f: {  	s31 =	sand.u32 $0x4000, s19;
	s18 =	ssub.s32 $0x0, s16;
	[sflag:s5] =	ssyncset.done $0x0  }
0x50: {  	s17 =	sor.u32 $0x8000, s31;
	[sflag:s5] =	ssyncadd.s32 s18  }
0x51: {  	p1 =	sne.s32 s20, $0x1  }
.Ltmp4:
0x52: {  	v0 =	vmov s17;
	(pc) =	sbr.rel @!p1 .LBB1_4-.Ltmp4, $4  }
0x53: {  	_ = 	snop  }
0x54: {  	s18 =	sand.u32 $0x4000, s10  }
0x55: {  	s18 =	sor.u32 $0x40, s18  }
0x56: {  	s19 =	simm.s32 $0x0;
	s21 =	sadd.s32 $0xFFFFFFFF, s20;
	p0 =	por $0x0, $0x0;
	v1 =	vld [tilespmem:s18+$0x30]  }
0x57: {  	v4 =	vld [tilespmem:s18+$0xFFFFFFC0]  }
0x58: {  	v6 =	vld [tilespmem:s18+$0xFFFFFFD0]  }
0x59: {  	v7 =	vld [tilespmem:s18+$0xFFFFFFE0];
	p1 =	sne.s32 s21, $0x1  }
.Ltmp5:
0x5a: {  	v2 =	vld [tilespmem:s18+$0xFFFFFFF0];
	s20 =	sand.u32 $0x3F80, s19;
	(pc) =	sbr.rel @!p1 .LBB1_6-.Ltmp5, $4  }
0x5b: {  	v3 =	vld [tilespmem:s18+$0x0];
	[tilespmem:v0+s20+$0x70 ss:$0x1] =	vst.idx.msk $0xffff, v1  }
0x5c: {  	v5 =	vld [tilespmem:s18+$0x10];
	[tilespmem:v0+s20+$0x0 ss:$0x1] =	vst.idx.msk $0xffff, v4  }
0x5d: {  	v4 =	vld [tilespmem:s18+$0x20];
	[tilespmem:v0+s20+$0x10 ss:$0x1] =	vst.idx.msk $0xffff, v6;
	s18 =	sadd.s32 $0x80, s18  }
0x5e: {  	s22 =	sadd.s32 $0xFFFFFFFF, s21;
	p0 =	por $0x1, $0x1;
	s21 =	simm.s32 $0x0;
	[tilespmem:v0+s20+$0x20 ss:$0x1] =	vst.idx.msk $0xffff, v7;
	v1 =	vld [tilespmem:s18+$0x30]  }
.LBB1_7:
0x5f: {  	p1 =	sne.s32 s22, $0x1;
	v6 =	vld [tilespmem:s18+$0xFFFFFFC0];
	[tilespmem:v0+s20+$0x30 ss:$0x1] =	vst.idx.msk $0xffff, v2  }
0x60: {  	v7 =	vld [tilespmem:s18+$0xFFFFFFD0];
	[tilespmem:v0+s20+$0x40 ss:$0x1] =	vst.idx.msk $0xffff, v3  }
0x61: {  	s21 =	sadd.s32 $0x80, s21;
	v8 =	vld [tilespmem:s18+$0xFFFFFFE0];
	[tilespmem:v0+s20+$0x50 ss:$0x1] =	vst.idx.msk $0xffff, v5  }
.Ltmp6:
0x62: {  	v2 =	vld [tilespmem:s18+$0xFFFFFFF0];
	[tilespmem:v0+s20+$0x60 ss:$0x1] =	vst.idx.msk $0xffff, v4;
	s20 =	sand.u32 $0x3F80, s21;
	(pc) =	sbr.rel @p1 .LBB1_7-.Ltmp6, $4  }
0x63: {  	v3 =	vld [tilespmem:s18+$0x0];
	[tilespmem:v0+s20+$0x70 ss:$0x1] =	vst.idx.msk $0xffff, v1  }
0x64: {  	[tilespmem:v0+s20+$0x0 ss:$0x1] =	vst.idx.msk $0xffff, v6;
	v5 =	vld [tilespmem:s18+$0x10]  }
0x65: {  	[tilespmem:v0+s20+$0x10 ss:$0x1] =	vst.idx.msk $0xffff, v7;
	v4 =	vld [tilespmem:s18+$0x20];
	s18 =	sadd.s32 $0x80, s18  }
0x66: {  	s22 =	sadd.s32 $0xFFFFFFFF, s22;
	v1 =	vld [tilespmem:s18+$0x30];
	[tilespmem:v0+s20+$0x20 ss:$0x1] =	vst.idx.msk $0xffff, v8  }
.Ltmp7:
0x67: {  	_ = 	snop;
	(pc) =	sbr.rel .LBB1_8-.Ltmp7, $1  }
0x68: {  	_ =	sdelay $0x3  }
.LBB1_6:
.Ltmp8:
0x69: {  	(pc) =	sbr.rel .LBB1_8-.Ltmp8, $2  }
0x6a: {  	_ =	sdelay $0x2  }
0x6b: {  	s21 =	simm.s32 $0x0  }
.LBB1_11:
0x6c: {  	_ =	sfence.sel $0x180000  }
0x6d: {  	s2 =	simm.s32 $0x1;
	[bflag:$0x0] =	sbarrier.arrive $0xFFFF  }
0x6e: {  	s31 =	simm.s32 $0x2;
	[sflag:s2] =	ssyncpa.u1 $0x1  }
0x6f: {  	[sflag:s31] =	ssyncpa.u1 $0x1  }
0x70: {  	p0 =	sne.s32 s0, $0x0;
	_ =	strace $0x90000047  }
0x71: {  	s0 =	sadd.s32 @!p0 $0x100000, s1;
	[bflag:$0x2] =	sbarrier.arrive $0xFFFF  }
0x72: {  	[sflag:s0] =	ssyncadd.tile.s32 @!p0 $0x1;
	_ =	shalt  }
.Lfunc_end1:
_tile_overlayer_lowered:
.L_overlay_start_2:
0x73: {  	(tag) =	ssettag $0x2  }
0x74: {  	s0 =	rddreg [dreg:$0x0];
	s2 =	stileid.u32  }
0x75: {  	s1 =	rddreg [dreg:$0x1];
	p0 =	sne.s32 s2, $0x0  }
0x76: {  	s3 =	rddreg [dreg:$0x2];
	[bflag:$0x3] =	sbarrier.arrive $0xFFFF;
	s2 =	simm.s32 @!p0 $0x1C01  }
0x77: {  	[timem:s3], [sflag:s2] =	dma.local @!p0 [hbm:s0], s1  }
0x78: {  	s0 =	simm.s32 @!p0 $0x1  }
0x79: {  	_ =	swait.ge @!p0 [sflag:s0], s1  }
0x7a: {  	s1 =	ssub.s32 @!p0 $0x0, s1;
	[sflag:s0] =	ssyncset.done @!p0 $0x0  }
0x7b: {  	[sflag:s0] =	ssyncadd.s32 @!p0 s1  }
0x7c: {  	[bflag:$0x3] =	sbarrier.arrive $0xFFFF  }
0x7d: {  	_ =	shalt  }

</sc_bundles>
